<compile_context>
chip_gen: v7x
topology: tpu7x:2x2x1
jax: 0.10.2.dev20260603
libtpu: 0.0.44.dev20260713+nightly
codegen_flags: <defaults>
</compile_context>

<pallas_src>
import functools

import jax
import jax.numpy as jnp
from jax import lax
from jax.experimental import pallas as pl
from jax.experimental.pallas import tpu as pltpu
from jax.experimental.pallas import tpu_sc as plsc

VOCAB = 100000
EMB = 64
BATCH = 4096
SEQ = 50
LANES = 16
NC, NS = 2, 16
NW = NC * NS
B_PER_W = BATCH // NW
NBUF = 4


def _sc_lookup(table_pad, seq):
    mesh = plsc.VectorSubcoreMesh(
        core_axis_name="c", subcore_axis_name="s",
        num_cores=NC, num_subcores=NS)

    @functools.partial(
        pl.kernel,
        out_type=jax.ShapeDtypeStruct((BATCH, SEQ, EMB), jnp.float32),
        mesh=mesh,
        scratch_types=[
            pltpu.VMEM((B_PER_W, SEQ), jnp.int32),
            [pltpu.VMEM((SEQ, 2 * EMB), jnp.float32) for _ in range(NBUF)],
            [pltpu.VMEM((SEQ, EMB), jnp.float32) for _ in range(NBUF)],
            [pltpu.SemaphoreType.DMA for _ in range(NBUF)],
            [pltpu.SemaphoreType.DMA for _ in range(NBUF)],
        ],
        compiler_params=pltpu.CompilerParams(use_tc_tiling_on_sc=True),
    )
    def k(table_hbm, seq_hbm, out_hbm, idx_v, rows, stages, gsems, ssems):
        wid = lax.axis_index("s") * NC + lax.axis_index("c")
        b0 = wid * B_PER_W
        pltpu.sync_copy(seq_hbm.at[pl.ds(b0, B_PER_W)], idx_v)

        for b in range(NBUF):
            pltpu.async_copy(table_hbm.at[idx_v.at[b]], rows[b], gsems[b])

        def repack(rbuf, sbuf):
            def per_row(r, carry):
                for l in range(EMB // LANES):
                    sbuf[r, pl.ds(l * LANES, LANES)] = (
                        rbuf[r, pl.ds(l * LANES, LANES)])
                return carry
            lax.fori_loop(0, SEQ, per_row, 0)

        def outer(g, carry):
            for b in range(NBUF):
                c = g * NBUF + b
                pltpu.make_async_copy(
                    table_hbm.at[idx_v.at[c]], rows[b], gsems[b]).wait()

                @pl.when(g > 0)
                def _():
                    pltpu.make_async_copy(
                        stages[b], out_hbm.at[b0 + c - NBUF], ssems[b]).wait()

                repack(rows[b], stages[b])
                pltpu.async_copy(stages[b], out_hbm.at[b0 + c], ssems[b])
                nxt = c + NBUF

                @pl.when(nxt < B_PER_W)
                def _():
                    pltpu.async_copy(
                        table_hbm.at[idx_v.at[nxt]], rows[b], gsems[b])
            return carry

        lax.fori_loop(0, B_PER_W // NBUF, outer, 0)
        for b in range(NBUF):
            pltpu.make_async_copy(
                stages[b], out_hbm.at[b0 + B_PER_W - NBUF + b], ssems[b]).wait()

    return k(table_pad, seq)


def kernel(seq, W):
    table_pad = jnp.pad(W, ((0, 0), (0, 2 * EMB - W.shape[1])))
    return _sc_lookup(table_pad, seq.astype(jnp.int32))

# --- scband reference (transcript-rebuilt; emitter-appended) ---
"""Pipeline reference for scband-embedding-layer-32667521254122 (READ-ONLY COPY).

The authoritative reference and input builder live on the scoring server;
editing this copy changes nothing except your own understanding.
"""

import jax, jax.numpy as jnp
import numpy as np

VOCAB = 100000
EMB = 64

def setup_inputs(seed: int = 0) -> dict:
    key = jax.random.key(seed)
    k_seq, k_w = jax.random.split(key)
    seq = jax.random.randint(k_seq, (4096, 50), 0, VOCAB, dtype=jnp.int64 if jax.config.jax_enable_x64 else jnp.int32)
    # variance_scaling initializer (fan_in, factor=2.0, truncated normal approx via normal*stddev)
    stddev = float(np.sqrt(2.0 / VOCAB))
    W = jax.random.normal(k_w, (VOCAB, EMB), dtype=jnp.float32) * stddev
    return {"seq": seq, "W": W}

def reference(seq, W):
    # tf.nn.embedding_lookup(W, seq) -> gather rows of W by seq ids
    return jnp.take(W, seq, axis=0)

if __name__ == "__main__":
    import jax
    _d = setup_inputs()
    print(jax.jit(kernel)(*tuple(_d.values())))

</pallas_src>

<mosaic_0001>
#map = affine_map<(d0, d1) -> (0, 0)>
#map1 = affine_map<(d0, d1) -> (0, 0, 0)>
module attributes {stable_mosaic.version = 14 : i64} {
  func.func @k(%arg0: i32, %arg1: i32, %arg2: memref<100000x128xf32, #tpu.memory_space<hbm>>, %arg3: memref<4096x50xi32, #tpu.memory_space<hbm>>, %arg4: memref<4096x50x64xf32, #tpu.memory_space<hbm>>, %arg5: memref<128x50xi32, #tpu.memory_space<vmem>>, %arg6: memref<50x128xf32, #tpu.memory_space<vmem>>, %arg7: memref<50x128xf32, #tpu.memory_space<vmem>>, %arg8: memref<50x128xf32, #tpu.memory_space<vmem>>, %arg9: memref<50x128xf32, #tpu.memory_space<vmem>>, %arg10: memref<50x64xf32, #tpu.memory_space<vmem>>, %arg11: memref<50x64xf32, #tpu.memory_space<vmem>>, %arg12: memref<50x64xf32, #tpu.memory_space<vmem>>, %arg13: memref<50x64xf32, #tpu.memory_space<vmem>>, %arg14: memref<!tpu.dma_semaphore, #tpu.memory_space<semaphore_mem>>, %arg15: memref<!tpu.dma_semaphore, #tpu.memory_space<semaphore_mem>>, %arg16: memref<!tpu.dma_semaphore, #tpu.memory_space<semaphore_mem>>, %arg17: memref<!tpu.dma_semaphore, #tpu.memory_space<semaphore_mem>>, %arg18: memref<!tpu.dma_semaphore, #tpu.memory_space<semaphore_mem>>, %arg19: memref<!tpu.dma_semaphore, #tpu.memory_space<semaphore_mem>>, %arg20: memref<!tpu.dma_semaphore, #tpu.memory_space<semaphore_mem>>, %arg21: memref<!tpu.dma_semaphore, #tpu.memory_space<semaphore_mem>>) attributes {dimension_semantics = [#tpu.dimension_semantics<core_parallel>, #tpu.dimension_semantics<subcore_parallel>], iteration_bounds = array<i64: 2, 16>, scalar_prefetch = 0 : i64, scratch_operands = 17 : i64, tpu.core_type = #tpu.core_type<sc_vector_subcore>, window_params = [{transform_indices = #map}, {transform_indices = #map}, {transform_indices = #map1}]} {
    %mul3A = arith.constant 2 : i32
    %mul3A_0 = arith.muli %arg1, %mul3A : i32
    %add3A = arith.addi %mul3A_0, %arg0 : i32
    %mul3A_1 = arith.constant 128 : i32
    %mul3A_2 = arith.muli %add3A, %mul3A_1 : i32
    "tpu.region"() ({
      %run_scoped3A = tpu.sem_alloc : memref<!tpu.dma_semaphore, #tpu.memory_space<semaphore_mem>>
      %dma_start3A_89 = arith.constant 0 : i32
      %dma_start3A_90 = tpu.memref_slice %arg3[%mul3A_2, %dma_start3A_89] : memref<4096x50xi32, #tpu.memory_space<hbm>> -> memref<128x50xi32, #tpu.memory_space<hbm>>
      %dma_start3A_91 = arith.constant 0 : i32
      %dma_start3A_92 = tpu.memref_slice %arg3[%mul3A_2, %dma_start3A_91] : memref<4096x50xi32, #tpu.memory_space<hbm>> -> memref<128x50xi32, #tpu.memory_space<hbm>>
      tpu.enqueue_dma source(%dma_start3A_92 : memref<128x50xi32, #tpu.memory_space<hbm>>) target(%arg5 : memref<128x50xi32, #tpu.memory_space<vmem>>) target_semaphore(%run_scoped3A : memref<!tpu.dma_semaphore, #tpu.memory_space<semaphore_mem>>)
      %dma_wait3A_93 = arith.constant 0 : i32
      %dma_wait3A_94 = tpu.memref_slice %arg3[%mul3A_2, %dma_wait3A_93] : memref<4096x50xi32, #tpu.memory_space<hbm>> -> memref<128x50xi32, #tpu.memory_space<hbm>>
      %dma_wait3A_95 = arith.constant 0 : i32
      %dma_wait3A_96 = tpu.memref_slice %arg3[%mul3A_2, %dma_wait3A_95] : memref<4096x50xi32, #tpu.memory_space<hbm>> -> memref<128x50xi32, #tpu.memory_space<hbm>>
      tpu.wait_dma2 semaphore(%run_scoped3A : memref<!tpu.dma_semaphore, #tpu.memory_space<semaphore_mem>>) src(%dma_wait3A_96 : memref<128x50xi32, #tpu.memory_space<hbm>>) dst(%arg5 : memref<128x50xi32, #tpu.memory_space<vmem>>)
      tpu.yield
    }) : () -> ()
    %dma_start3A = arith.constant 0 : i32
    %dma_start3A_3 = arith.constant 0 : i32
    %dma_start3A_4 = tpu.memref_slice %arg5[%dma_start3A, %dma_start3A_3] : memref<128x50xi32, #tpu.memory_space<vmem>> -> memref<1x50xi32, #tpu.memory_space<vmem>>
    %dma_start3A_5 = tpu.memref_squeeze %dma_start3A_4 : memref<1x50xi32, #tpu.memory_space<vmem>> -> memref<50xi32, #tpu.memory_space<vmem>>
    %dma_start3A_6 = arith.constant 0 : i32
    %dma_start3A_7 = arith.constant 0 : i32
    %dma_start3A_8 = tpu.memref_slice %arg2[%dma_start3A_6, %dma_start3A_7] : memref<100000x128xf32, #tpu.memory_space<hbm>> -> memref<100000x128xf32, #tpu.memory_space<hbm>>
    tpu.enqueue_indirect_dma source(%dma_start3A_8 : memref<100000x128xf32, #tpu.memory_space<hbm>>) target(%arg6 : memref<50x128xf32, #tpu.memory_space<vmem>>) offsets(%dma_start3A_5 : memref<50xi32, #tpu.memory_space<vmem>>) semaphore(%arg14 : memref<!tpu.dma_semaphore, #tpu.memory_space<semaphore_mem>>)
    %dma_start3A_9 = arith.constant 1 : i32
    %dma_start3A_10 = arith.constant 0 : i32
    %dma_start3A_11 = tpu.memref_slice %arg5[%dma_start3A_9, %dma_start3A_10] : memref<128x50xi32, #tpu.memory_space<vmem>> -> memref<1x50xi32, #tpu.memory_space<vmem>>
    %dma_start3A_12 = tpu.memref_squeeze %dma_start3A_11 : memref<1x50xi32, #tpu.memory_space<vmem>> -> memref<50xi32, #tpu.memory_space<vmem>>
    %dma_start3A_13 = arith.constant 0 : i32
    %dma_start3A_14 = arith.constant 0 : i32
    %dma_start3A_15 = tpu.memref_slice %arg2[%dma_start3A_13, %dma_start3A_14] : memref<100000x128xf32, #tpu.memory_space<hbm>> -> memref<100000x128xf32, #tpu.memory_space<hbm>>
    tpu.enqueue_indirect_dma source(%dma_start3A_15 : memref<100000x128xf32, #tpu.memory_space<hbm>>) target(%arg7 : memref<50x128xf32, #tpu.memory_space<vmem>>) offsets(%dma_start3A_12 : memref<50xi32, #tpu.memory_space<vmem>>) semaphore(%arg15 : memref<!tpu.dma_semaphore, #tpu.memory_space<semaphore_mem>>)
    %dma_start3A_16 = arith.constant 2 : i32
    %dma_start3A_17 = arith.constant 0 : i32
    %dma_start3A_18 = tpu.memref_slice %arg5[%dma_start3A_16, %dma_start3A_17] : memref<128x50xi32, #tpu.memory_space<vmem>> -> memref<1x50xi32, #tpu.memory_space<vmem>>
    %dma_start3A_19 = tpu.memref_squeeze %dma_start3A_18 : memref<1x50xi32, #tpu.memory_space<vmem>> -> memref<50xi32, #tpu.memory_space<vmem>>
    %dma_start3A_20 = arith.constant 0 : i32
    %dma_start3A_21 = arith.constant 0 : i32
    %dma_start3A_22 = tpu.memref_slice %arg2[%dma_start3A_20, %dma_start3A_21] : memref<100000x128xf32, #tpu.memory_space<hbm>> -> memref<100000x128xf32, #tpu.memory_space<hbm>>
    tpu.enqueue_indirect_dma source(%dma_start3A_22 : memref<100000x128xf32, #tpu.memory_space<hbm>>) target(%arg8 : memref<50x128xf32, #tpu.memory_space<vmem>>) offsets(%dma_start3A_19 : memref<50xi32, #tpu.memory_space<vmem>>) semaphore(%arg16 : memref<!tpu.dma_semaphore, #tpu.memory_space<semaphore_mem>>)
    %dma_start3A_23 = arith.constant 3 : i32
    %dma_start3A_24 = arith.constant 0 : i32
    %dma_start3A_25 = tpu.memref_slice %arg5[%dma_start3A_23, %dma_start3A_24] : memref<128x50xi32, #tpu.memory_space<vmem>> -> memref<1x50xi32, #tpu.memory_space<vmem>>
    %dma_start3A_26 = tpu.memref_squeeze %dma_start3A_25 : memref<1x50xi32, #tpu.memory_space<vmem>> -> memref<50xi32, #tpu.memory_space<vmem>>
    %dma_start3A_27 = arith.constant 0 : i32
    %dma_start3A_28 = arith.constant 0 : i32
    %dma_start3A_29 = tpu.memref_slice %arg2[%dma_start3A_27, %dma_start3A_28] : memref<100000x128xf32, #tpu.memory_space<hbm>> -> memref<100000x128xf32, #tpu.memory_space<hbm>>
    tpu.enqueue_indirect_dma source(%dma_start3A_29 : memref<100000x128xf32, #tpu.memory_space<hbm>>) target(%arg9 : memref<50x128xf32, #tpu.memory_space<vmem>>) offsets(%dma_start3A_26 : memref<50xi32, #tpu.memory_space<vmem>>) semaphore(%arg17 : memref<!tpu.dma_semaphore, #tpu.memory_space<semaphore_mem>>)
    %scan3A = arith.constant 0 : i32
    %scan3A_30 = arith.constant 0 : i32
    %scan3A_31 = arith.constant 32 : i32
    %scan3A_32 = arith.addi %scan3A_30, %scan3A_31 : i32
    %scan3A_33 = arith.constant 1 : i32
    scf.for %scan3A_89 = %scan3A_30 to %scan3A_32 step %scan3A_33  : i32 {
      %mul3A_90 = arith.constant 4 : i32
      %mul3A_91 = arith.muli %scan3A_89, %mul3A_90 : i32
      %add3A_92 = arith.constant 0 : i32
      %add3A_93 = arith.addi %mul3A_91, %add3A_92 : i32
      %dma_wait3A_94 = arith.constant 0 : i32
      %dma_wait3A_95 = tpu.memref_slice %arg5[%add3A_93, %dma_wait3A_94] : memref<128x50xi32, #tpu.memory_space<vmem>> -> memref<1x50xi32, #tpu.memory_space<vmem>>
      %dma_wait3A_96 = tpu.memref_squeeze %dma_wait3A_95 : memref<1x50xi32, #tpu.memory_space<vmem>> -> memref<50xi32, #tpu.memory_space<vmem>>
      %dma_wait3A_97 = arith.constant 0 : i32
      %dma_wait3A_98 = arith.constant 0 : i32
      %dma_wait3A_99 = tpu.memref_slice %arg2[%dma_wait3A_97, %dma_wait3A_98] : memref<100000x128xf32, #tpu.memory_space<hbm>> -> memref<100000x128xf32, #tpu.memory_space<hbm>>
      tpu.wait_indirect_dma semaphore(%arg14 : memref<!tpu.dma_semaphore, #tpu.memory_space<semaphore_mem>>) src(%dma_wait3A_99 : memref<100000x128xf32, #tpu.memory_space<hbm>>) dst(%arg6 : memref<50x128xf32, #tpu.memory_space<vmem>>)
      %gt3A = arith.constant 0 : i32
      %gt3A_100 = arith.cmpi sgt, %scan3A_89, %gt3A : i32
      %convert_element_type3A = arith.extui %gt3A_100 : i1 to i32
      %cond3A = arith.constant 0 : i32
      %cond3A_101 = arith.cmpi ne, %convert_element_type3A, %cond3A : i32
      scf.if %cond3A_101 {
        %add3A_234 = arith.addi %mul3A_2, %add3A_93 : i32
        %sub3A_235 = arith.constant 4 : i32
        %sub3A_236 = arith.subi %add3A_234, %sub3A_235 : i32
        %dma_wait3A_237 = arith.constant 0 : i32
        %dma_wait3A_238 = arith.constant 0 : i32
        %dma_wait3A_239 = tpu.memref_slice %arg4[%sub3A_236, %dma_wait3A_237, %dma_wait3A_238] : memref<4096x50x64xf32, #tpu.memory_space<hbm>> -> memref<1x50x64xf32, #tpu.memory_space<hbm>>
        %dma_wait3A_240 = tpu.memref_squeeze %dma_wait3A_239 : memref<1x50x64xf32, #tpu.memory_space<hbm>> -> memref<50x64xf32, #tpu.memory_space<hbm>>
        %dma_wait3A_241 = arith.constant 0 : i32
        %dma_wait3A_242 = arith.constant 0 : i32
        %dma_wait3A_243 = tpu.memref_slice %arg4[%sub3A_236, %dma_wait3A_241, %dma_wait3A_242] : memref<4096x50x64xf32, #tpu.memory_space<hbm>> -> memref<1x50x64xf32, #tpu.memory_space<hbm>>
        %dma_wait3A_244 = tpu.memref_squeeze %dma_wait3A_243 : memref<1x50x64xf32, #tpu.memory_space<hbm>> -> memref<50x64xf32, #tpu.memory_space<hbm>>
        tpu.wait_dma2 semaphore(%arg18 : memref<!tpu.dma_semaphore, #tpu.memory_space<semaphore_mem>>) src(%arg10 : memref<50x64xf32, #tpu.memory_space<vmem>>) dst(%dma_wait3A_244 : memref<50x64xf32, #tpu.memory_space<hbm>>)
      } else {
      }
      %scan3A_102 = arith.constant 0 : i32
      %scan3A_103 = arith.constant 0 : i32
      %scan3A_104 = arith.constant 50 : i32
      %scan3A_105 = arith.addi %scan3A_103, %scan3A_104 : i32
      %scan3A_106 = arith.constant 1 : i32
      scf.for %scan3A_234 = %scan3A_103 to %scan3A_105 step %scan3A_106  : i32 {
        %get3A = arith.index_cast %scan3A_234 : i32 to index
        %get3A_235 = arith.constant 0 : index
        %get3A_236 = tpu.vector_load %arg6[%get3A, %get3A_235] {strides = array<i32>} : memref<50x128xf32, #tpu.memory_space<vmem>>, vector<1x16xf32>,
        %get3A_237 = vector.shape_cast %get3A_236 : vector<1x16xf32> to vector<16xf32>
        %swap3A = arith.index_cast %scan3A_234 : i32 to index
        %swap3A_238 = arith.constant 0 : index
        %swap3A_239 = tpu.vector_load %arg10[%swap3A, %swap3A_238] {strides = array<i32>} : memref<50x64xf32, #tpu.memory_space<vmem>>, vector<1x16xf32>,
        %swap3A_240 = vector.shape_cast %swap3A_239 : vector<1x16xf32> to vector<16xf32>
        %swap3A_241 = vector.shape_cast %get3A_237 : vector<16xf32> to vector<1x16xf32>
        tpu.vector_store %arg10[%swap3A, %swap3A_238], %swap3A_241 {strides = array<i32>} : memref<50x64xf32, #tpu.memory_space<vmem>>, vector<1x16xf32>,
        %get3A_242 = arith.index_cast %scan3A_234 : i32 to index
        %get3A_243 = arith.constant 16 : index
        %get3A_244 = tpu.vector_load %arg6[%get3A_242, %get3A_243] {strides = array<i32>} : memref<50x128xf32, #tpu.memory_space<vmem>>, vector<1x16xf32>,
        %get3A_245 = vector.shape_cast %get3A_244 : vector<1x16xf32> to vector<16xf32>
        %swap3A_246 = arith.index_cast %scan3A_234 : i32 to index
        %swap3A_247 = arith.constant 16 : index
        %swap3A_248 = tpu.vector_load %arg10[%swap3A_246, %swap3A_247] {strides = array<i32>} : memref<50x64xf32, #tpu.memory_space<vmem>>, vector<1x16xf32>,
        %swap3A_249 = vector.shape_cast %swap3A_248 : vector<1x16xf32> to vector<16xf32>
        %swap3A_250 = vector.shape_cast %get3A_245 : vector<16xf32> to vector<1x16xf32>
        tpu.vector_store %arg10[%swap3A_246, %swap3A_247], %swap3A_250 {strides = array<i32>} : memref<50x64xf32, #tpu.memory_space<vmem>>, vector<1x16xf32>,
        %get3A_251 = arith.index_cast %scan3A_234 : i32 to index
        %get3A_252 = arith.constant 32 : index
        %get3A_253 = tpu.vector_load %arg6[%get3A_251, %get3A_252] {strides = array<i32>} : memref<50x128xf32, #tpu.memory_space<vmem>>, vector<1x16xf32>,
        %get3A_254 = vector.shape_cast %get3A_253 : vector<1x16xf32> to vector<16xf32>
        %swap3A_255 = arith.index_cast %scan3A_234 : i32 to index
        %swap3A_256 = arith.constant 32 : index
        %swap3A_257 = tpu.vector_load %arg10[%swap3A_255, %swap3A_256] {strides = array<i32>} : memref<50x64xf32, #tpu.memory_space<vmem>>, vector<1x16xf32>,
        %swap3A_258 = vector.shape_cast %swap3A_257 : vector<1x16xf32> to vector<16xf32>
        %swap3A_259 = vector.shape_cast %get3A_254 : vector<16xf32> to vector<1x16xf32>
        tpu.vector_store %arg10[%swap3A_255, %swap3A_256], %swap3A_259 {strides = array<i32>} : memref<50x64xf32, #tpu.memory_space<vmem>>, vector<1x16xf32>,
        %get3A_260 = arith.index_cast %scan3A_234 : i32 to index
        %get3A_261 = arith.constant 48 : index
        %get3A_262 = tpu.vector_load %arg6[%get3A_260, %get3A_261] {strides = array<i32>} : memref<50x128xf32, #tpu.memory_space<vmem>>, vector<1x16xf32>,
        %get3A_263 = vector.shape_cast %get3A_262 : vector<1x16xf32> to vector<16xf32>
        %swap3A_264 = arith.index_cast %scan3A_234 : i32 to index
        %swap3A_265 = arith.constant 48 : index
        %swap3A_266 = tpu.vector_load %arg10[%swap3A_264, %swap3A_265] {strides = array<i32>} : memref<50x64xf32, #tpu.memory_space<vmem>>, vector<1x16xf32>,
        %swap3A_267 = vector.shape_cast %swap3A_266 : vector<1x16xf32> to vector<16xf32>
        %swap3A_268 = vector.shape_cast %get3A_263 : vector<16xf32> to vector<1x16xf32>
        tpu.vector_store %arg10[%swap3A_264, %swap3A_265], %swap3A_268 {strides = array<i32>} : memref<50x64xf32, #tpu.memory_space<vmem>>, vector<1x16xf32>,
      }
      %scan3A_107 = arith.constant 50 : i32
      %add3A_108 = arith.addi %mul3A_2, %add3A_93 : i32
      %dma_start3A_109 = arith.constant 0 : i32
      %dma_start3A_110 = arith.constant 0 : i32
      %dma_start3A_111 = tpu.memref_slice %arg4[%add3A_108, %dma_start3A_109, %dma_start3A_110] : memref<4096x50x64xf32, #tpu.memory_space<hbm>> -> memref<1x50x64xf32, #tpu.memory_space<hbm>>
      %dma_start3A_112 = tpu.memref_squeeze %dma_start3A_111 : memref<1x50x64xf32, #tpu.memory_space<hbm>> -> memref<50x64xf32, #tpu.memory_space<hbm>>
      %dma_start3A_113 = arith.constant 0 : i32
      %dma_start3A_114 = arith.constant 0 : i32
      %dma_start3A_115 = tpu.memref_slice %arg4[%add3A_108, %dma_start3A_113, %dma_start3A_114] : memref<4096x50x64xf32, #tpu.memory_space<hbm>> -> memref<1x50x64xf32, #tpu.memory_space<hbm>>
      %dma_start3A_116 = tpu.memref_squeeze %dma_start3A_115 : memref<1x50x64xf32, #tpu.memory_space<hbm>> -> memref<50x64xf32, #tpu.memory_space<hbm>>
      tpu.enqueue_dma source(%arg10 : memref<50x64xf32, #tpu.memory_space<vmem>>) target(%dma_start3A_116 : memref<50x64xf32, #tpu.memory_space<hbm>>) target_semaphore(%arg18 : memref<!tpu.dma_semaphore, #tpu.memory_space<semaphore_mem>>)
      %add3A_117 = arith.constant 4 : i32
      %add3A_118 = arith.addi %add3A_93, %add3A_117 : i32
      %lt3A = arith.constant 128 : i32
      %lt3A_119 = arith.cmpi slt, %add3A_118, %lt3A : i32
      %convert_element_type3A_120 = arith.extui %lt3A_119 : i1 to i32
      %cond3A_121 = arith.constant 0 : i32
      %cond3A_122 = arith.cmpi ne, %convert_element_type3A_120, %cond3A_121 : i32
      scf.if %cond3A_122 {
        %dma_start3A_234 = arith.constant 0 : i32
        %dma_start3A_235 = tpu.memref_slice %arg5[%add3A_118, %dma_start3A_234] : memref<128x50xi32, #tpu.memory_space<vmem>> -> memref<1x50xi32, #tpu.memory_space<vmem>>
        %dma_start3A_236 = tpu.memref_squeeze %dma_start3A_235 : memref<1x50xi32, #tpu.memory_space<vmem>> -> memref<50xi32, #tpu.memory_space<vmem>>
        %dma_start3A_237 = arith.constant 0 : i32
        %dma_start3A_238 = arith.constant 0 : i32
        %dma_start3A_239 = tpu.memref_slice %arg2[%dma_start3A_237, %dma_start3A_238] : memref<100000x128xf32, #tpu.memory_space<hbm>> -> memref<100000x128xf32, #tpu.memory_space<hbm>>
        tpu.enqueue_indirect_dma source(%dma_start3A_239 : memref<100000x128xf32, #tpu.memory_space<hbm>>) target(%arg6 : memref<50x128xf32, #tpu.memory_space<vmem>>) offsets(%dma_start3A_236 : memref<50xi32, #tpu.memory_space<vmem>>) semaphore(%arg14 : memref<!tpu.dma_semaphore, #tpu.memory_space<semaphore_mem>>)
      } else {
      }
      %mul3A_123 = arith.constant 4 : i32
      %mul3A_124 = arith.muli %scan3A_89, %mul3A_123 : i32
      %add3A_125 = arith.constant 1 : i32
      %add3A_126 = arith.addi %mul3A_124, %add3A_125 : i32
      %dma_wait3A_127 = arith.constant 0 : i32
      %dma_wait3A_128 = tpu.memref_slice %arg5[%add3A_126, %dma_wait3A_127] : memref<128x50xi32, #tpu.memory_space<vmem>> -> memref<1x50xi32, #tpu.memory_space<vmem>>
      %dma_wait3A_129 = tpu.memref_squeeze %dma_wait3A_128 : memref<1x50xi32, #tpu.memory_space<vmem>> -> memref<50xi32, #tpu.memory_space<vmem>>
      %dma_wait3A_130 = arith.constant 0 : i32
      %dma_wait3A_131 = arith.constant 0 : i32
      %dma_wait3A_132 = tpu.memref_slice %arg2[%dma_wait3A_130, %dma_wait3A_131] : memref<100000x128xf32, #tpu.memory_space<hbm>> -> memref<100000x128xf32, #tpu.memory_space<hbm>>
      tpu.wait_indirect_dma semaphore(%arg15 : memref<!tpu.dma_semaphore, #tpu.memory_space<semaphore_mem>>) src(%dma_wait3A_132 : memref<100000x128xf32, #tpu.memory_space<hbm>>) dst(%arg7 : memref<50x128xf32, #tpu.memory_space<vmem>>)
      %gt3A_133 = arith.constant 0 : i32
      %gt3A_134 = arith.cmpi sgt, %scan3A_89, %gt3A_133 : i32
      %convert_element_type3A_135 = arith.extui %gt3A_134 : i1 to i32
      %cond3A_136 = arith.constant 0 : i32
      %cond3A_137 = arith.cmpi ne, %convert_element_type3A_135, %cond3A_136 : i32
      scf.if %cond3A_137 {
        %add3A_234 = arith.addi %mul3A_2, %add3A_126 : i32
        %sub3A_235 = arith.constant 4 : i32
        %sub3A_236 = arith.subi %add3A_234, %sub3A_235 : i32
        %dma_wait3A_237 = arith.constant 0 : i32
        %dma_wait3A_238 = arith.constant 0 : i32
        %dma_wait3A_239 = tpu.memref_slice %arg4[%sub3A_236, %dma_wait3A_237, %dma_wait3A_238] : memref<4096x50x64xf32, #tpu.memory_space<hbm>> -> memref<1x50x64xf32, #tpu.memory_space<hbm>>
        %dma_wait3A_240 = tpu.memref_squeeze %dma_wait3A_239 : memref<1x50x64xf32, #tpu.memory_space<hbm>> -> memref<50x64xf32, #tpu.memory_space<hbm>>
        %dma_wait3A_241 = arith.constant 0 : i32
        %dma_wait3A_242 = arith.constant 0 : i32
        %dma_wait3A_243 = tpu.memref_slice %arg4[%sub3A_236, %dma_wait3A_241, %dma_wait3A_242] : memref<4096x50x64xf32, #tpu.memory_space<hbm>> -> memref<1x50x64xf32, #tpu.memory_space<hbm>>
        %dma_wait3A_244 = tpu.memref_squeeze %dma_wait3A_243 : memref<1x50x64xf32, #tpu.memory_space<hbm>> -> memref<50x64xf32, #tpu.memory_space<hbm>>
        tpu.wait_dma2 semaphore(%arg19 : memref<!tpu.dma_semaphore, #tpu.memory_space<semaphore_mem>>) src(%arg11 : memref<50x64xf32, #tpu.memory_space<vmem>>) dst(%dma_wait3A_244 : memref<50x64xf32, #tpu.memory_space<hbm>>)
      } else {
      }
      %scan3A_138 = arith.constant 0 : i32
      %scan3A_139 = arith.constant 0 : i32
      %scan3A_140 = arith.constant 50 : i32
      %scan3A_141 = arith.addi %scan3A_139, %scan3A_140 : i32
      %scan3A_142 = arith.constant 1 : i32
      scf.for %scan3A_234 = %scan3A_139 to %scan3A_141 step %scan3A_142  : i32 {
        %get3A = arith.index_cast %scan3A_234 : i32 to index
        %get3A_235 = arith.constant 0 : index
        %get3A_236 = tpu.vector_load %arg7[%get3A, %get3A_235] {strides = array<i32>} : memref<50x128xf32, #tpu.memory_space<vmem>>, vector<1x16xf32>,
        %get3A_237 = vector.shape_cast %get3A_236 : vector<1x16xf32> to vector<16xf32>
        %swap3A = arith.index_cast %scan3A_234 : i32 to index
        %swap3A_238 = arith.constant 0 : index
        %swap3A_239 = tpu.vector_load %arg11[%swap3A, %swap3A_238] {strides = array<i32>} : memref<50x64xf32, #tpu.memory_space<vmem>>, vector<1x16xf32>,
        %swap3A_240 = vector.shape_cast %swap3A_239 : vector<1x16xf32> to vector<16xf32>
        %swap3A_241 = vector.shape_cast %get3A_237 : vector<16xf32> to vector<1x16xf32>
        tpu.vector_store %arg11[%swap3A, %swap3A_238], %swap3A_241 {strides = array<i32>} : memref<50x64xf32, #tpu.memory_space<vmem>>, vector<1x16xf32>,
        %get3A_242 = arith.index_cast %scan3A_234 : i32 to index
        %get3A_243 = arith.constant 16 : index
        %get3A_244 = tpu.vector_load %arg7[%get3A_242, %get3A_243] {strides = array<i32>} : memref<50x128xf32, #tpu.memory_space<vmem>>, vector<1x16xf32>,
        %get3A_245 = vector.shape_cast %get3A_244 : vector<1x16xf32> to vector<16xf32>
        %swap3A_246 = arith.index_cast %scan3A_234 : i32 to index
        %swap3A_247 = arith.constant 16 : index
        %swap3A_248 = tpu.vector_load %arg11[%swap3A_246, %swap3A_247] {strides = array<i32>} : memref<50x64xf32, #tpu.memory_space<vmem>>, vector<1x16xf32>,
        %swap3A_249 = vector.shape_cast %swap3A_248 : vector<1x16xf32> to vector<16xf32>
        %swap3A_250 = vector.shape_cast %get3A_245 : vector<16xf32> to vector<1x16xf32>
        tpu.vector_store %arg11[%swap3A_246, %swap3A_247], %swap3A_250 {strides = array<i32>} : memref<50x64xf32, #tpu.memory_space<vmem>>, vector<1x16xf32>,
        %get3A_251 = arith.index_cast %scan3A_234 : i32 to index
        %get3A_252 = arith.constant 32 : index
        %get3A_253 = tpu.vector_load %arg7[%get3A_251, %get3A_252] {strides = array<i32>} : memref<50x128xf32, #tpu.memory_space<vmem>>, vector<1x16xf32>,
        %get3A_254 = vector.shape_cast %get3A_253 : vector<1x16xf32> to vector<16xf32>
        %swap3A_255 = arith.index_cast %scan3A_234 : i32 to index
        %swap3A_256 = arith.constant 32 : index
        %swap3A_257 = tpu.vector_load %arg11[%swap3A_255, %swap3A_256] {strides = array<i32>} : memref<50x64xf32, #tpu.memory_space<vmem>>, vector<1x16xf32>,
        %swap3A_258 = vector.shape_cast %swap3A_257 : vector<1x16xf32> to vector<16xf32>
        %swap3A_259 = vector.shape_cast %get3A_254 : vector<16xf32> to vector<1x16xf32>
        tpu.vector_store %arg11[%swap3A_255, %swap3A_256], %swap3A_259 {strides = array<i32>} : memref<50x64xf32, #tpu.memory_space<vmem>>, vector<1x16xf32>,
        %get3A_260 = arith.index_cast %scan3A_234 : i32 to index
        %get3A_261 = arith.constant 48 : index
        %get3A_262 = tpu.vector_load %arg7[%get3A_260, %get3A_261] {strides = array<i32>} : memref<50x128xf32, #tpu.memory_space<vmem>>, vector<1x16xf32>,
        %get3A_263 = vector.shape_cast %get3A_262 : vector<1x16xf32> to vector<16xf32>
        %swap3A_264 = arith.index_cast %scan3A_234 : i32 to index
        %swap3A_265 = arith.constant 48 : index
        %swap3A_266 = tpu.vector_load %arg11[%swap3A_264, %swap3A_265] {strides = array<i32>} : memref<50x64xf32, #tpu.memory_space<vmem>>, vector<1x16xf32>,
        %swap3A_267 = vector.shape_cast %swap3A_266 : vector<1x16xf32> to vector<16xf32>
        %swap3A_268 = vector.shape_cast %get3A_263 : vector<16xf32> to vector<1x16xf32>
        tpu.vector_store %arg11[%swap3A_264, %swap3A_265], %swap3A_268 {strides = array<i32>} : memref<50x64xf32, #tpu.memory_space<vmem>>, vector<1x16xf32>,
      }
      %scan3A_143 = arith.constant 50 : i32
      %add3A_144 = arith.addi %mul3A_2, %add3A_126 : i32
      %dma_start3A_145 = arith.constant 0 : i32
      %dma_start3A_146 = arith.constant 0 : i32
      %dma_start3A_147 = tpu.memref_slice %arg4[%add3A_144, %dma_start3A_145, %dma_start3A_146] : memref<4096x50x64xf32, #tpu.memory_space<hbm>> -> memref<1x50x64xf32, #tpu.memory_space<hbm>>
      %dma_start3A_148 = tpu.memref_squeeze %dma_start3A_147 : memref<1x50x64xf32, #tpu.memory_space<hbm>> -> memref<50x64xf32, #tpu.memory_space<hbm>>
      %dma_start3A_149 = arith.constant 0 : i32
      %dma_start3A_150 = arith.constant 0 : i32
      %dma_start3A_151 = tpu.memref_slice %arg4[%add3A_144, %dma_start3A_149, %dma_start3A_150] : memref<4096x50x64xf32, #tpu.memory_space<hbm>> -> memref<1x50x64xf32, #tpu.memory_space<hbm>>
      %dma_start3A_152 = tpu.memref_squeeze %dma_start3A_151 : memref<1x50x64xf32, #tpu.memory_space<hbm>> -> memref<50x64xf32, #tpu.memory_space<hbm>>
      tpu.enqueue_dma source(%arg11 : memref<50x64xf32, #tpu.memory_space<vmem>>) target(%dma_start3A_152 : memref<50x64xf32, #tpu.memory_space<hbm>>) target_semaphore(%arg19 : memref<!tpu.dma_semaphore, #tpu.memory_space<semaphore_mem>>)
      %add3A_153 = arith.constant 4 : i32
      %add3A_154 = arith.addi %add3A_126, %add3A_153 : i32
      %lt3A_155 = arith.constant 128 : i32
      %lt3A_156 = arith.cmpi slt, %add3A_154, %lt3A_155 : i32
      %convert_element_type3A_157 = arith.extui %lt3A_156 : i1 to i32
      %cond3A_158 = arith.constant 0 : i32
      %cond3A_159 = arith.cmpi ne, %convert_element_type3A_157, %cond3A_158 : i32
      scf.if %cond3A_159 {
        %dma_start3A_234 = arith.constant 0 : i32
        %dma_start3A_235 = tpu.memref_slice %arg5[%add3A_154, %dma_start3A_234] : memref<128x50xi32, #tpu.memory_space<vmem>> -> memref<1x50xi32, #tpu.memory_space<vmem>>
        %dma_start3A_236 = tpu.memref_squeeze %dma_start3A_235 : memref<1x50xi32, #tpu.memory_space<vmem>> -> memref<50xi32, #tpu.memory_space<vmem>>
        %dma_start3A_237 = arith.constant 0 : i32
        %dma_start3A_238 = arith.constant 0 : i32
        %dma_start3A_239 = tpu.memref_slice %arg2[%dma_start3A_237, %dma_start3A_238] : memref<100000x128xf32, #tpu.memory_space<hbm>> -> memref<100000x128xf32, #tpu.memory_space<hbm>>
        tpu.enqueue_indirect_dma source(%dma_start3A_239 : memref<100000x128xf32, #tpu.memory_space<hbm>>) target(%arg7 : memref<50x128xf32, #tpu.memory_space<vmem>>) offsets(%dma_start3A_236 : memref<50xi32, #tpu.memory_space<vmem>>) semaphore(%arg15 : memref<!tpu.dma_semaphore, #tpu.memory_space<semaphore_mem>>)
      } else {
      }
      %mul3A_160 = arith.constant 4 : i32
      %mul3A_161 = arith.muli %scan3A_89, %mul3A_160 : i32
      %add3A_162 = arith.constant 2 : i32
      %add3A_163 = arith.addi %mul3A_161, %add3A_162 : i32
      %dma_wait3A_164 = arith.constant 0 : i32
      %dma_wait3A_165 = tpu.memref_slice %arg5[%add3A_163, %dma_wait3A_164] : memref<128x50xi32, #tpu.memory_space<vmem>> -> memref<1x50xi32, #tpu.memory_space<vmem>>
      %dma_wait3A_166 = tpu.memref_squeeze %dma_wait3A_165 : memref<1x50xi32, #tpu.memory_space<vmem>> -> memref<50xi32, #tpu.memory_space<vmem>>
      %dma_wait3A_167 = arith.constant 0 : i32
      %dma_wait3A_168 = arith.constant 0 : i32
      %dma_wait3A_169 = tpu.memref_slice %arg2[%dma_wait3A_167, %dma_wait3A_168] : memref<100000x128xf32, #tpu.memory_space<hbm>> -> memref<100000x128xf32, #tpu.memory_space<hbm>>
      tpu.wait_indirect_dma semaphore(%arg16 : memref<!tpu.dma_semaphore, #tpu.memory_space<semaphore_mem>>) src(%dma_wait3A_169 : memref<100000x128xf32, #tpu.memory_space<hbm>>) dst(%arg8 : memref<50x128xf32, #tpu.memory_space<vmem>>)
      %gt3A_170 = arith.constant 0 : i32
      %gt3A_171 = arith.cmpi sgt, %scan3A_89, %gt3A_170 : i32
      %convert_element_type3A_172 = arith.extui %gt3A_171 : i1 to i32
      %cond3A_173 = arith.constant 0 : i32
      %cond3A_174 = arith.cmpi ne, %convert_element_type3A_172, %cond3A_173 : i32
      scf.if %cond3A_174 {
        %add3A_234 = arith.addi %mul3A_2, %add3A_163 : i32
        %sub3A_235 = arith.constant 4 : i32
        %sub3A_236 = arith.subi %add3A_234, %sub3A_235 : i32
        %dma_wait3A_237 = arith.constant 0 : i32
        %dma_wait3A_238 = arith.constant 0 : i32
        %dma_wait3A_239 = tpu.memref_slice %arg4[%sub3A_236, %dma_wait3A_237, %dma_wait3A_238] : memref<4096x50x64xf32, #tpu.memory_space<hbm>> -> memref<1x50x64xf32, #tpu.memory_space<hbm>>
        %dma_wait3A_240 = tpu.memref_squeeze %dma_wait3A_239 : memref<1x50x64xf32, #tpu.memory_space<hbm>> -> memref<50x64xf32, #tpu.memory_space<hbm>>
        %dma_wait3A_241 = arith.constant 0 : i32
        %dma_wait3A_242 = arith.constant 0 : i32
        %dma_wait3A_243 = tpu.memref_slice %arg4[%sub3A_236, %dma_wait3A_241, %dma_wait3A_242] : memref<4096x50x64xf32, #tpu.memory_space<hbm>> -> memref<1x50x64xf32, #tpu.memory_space<hbm>>
        %dma_wait3A_244 = tpu.memref_squeeze %dma_wait3A_243 : memref<1x50x64xf32, #tpu.memory_space<hbm>> -> memref<50x64xf32, #tpu.memory_space<hbm>>
        tpu.wait_dma2 semaphore(%arg20 : memref<!tpu.dma_semaphore, #tpu.memory_space<semaphore_mem>>) src(%arg12 : memref<50x64xf32, #tpu.memory_space<vmem>>) dst(%dma_wait3A_244 : memref<50x64xf32, #tpu.memory_space<hbm>>)
      } else {
      }
      %scan3A_175 = arith.constant 0 : i32
      %scan3A_176 = arith.constant 0 : i32
      %scan3A_177 = arith.constant 50 : i32
      %scan3A_178 = arith.addi %scan3A_176, %scan3A_177 : i32
      %scan3A_179 = arith.constant 1 : i32
      scf.for %scan3A_234 = %scan3A_176 to %scan3A_178 step %scan3A_179  : i32 {
        %get3A = arith.index_cast %scan3A_234 : i32 to index
        %get3A_235 = arith.constant 0 : index
        %get3A_236 = tpu.vector_load %arg8[%get3A, %get3A_235] {strides = array<i32>} : memref<50x128xf32, #tpu.memory_space<vmem>>, vector<1x16xf32>,
        %get3A_237 = vector.shape_cast %get3A_236 : vector<1x16xf32> to vector<16xf32>
        %swap3A = arith.index_cast %scan3A_234 : i32 to index
        %swap3A_238 = arith.constant 0 : index
        %swap3A_239 = tpu.vector_load %arg12[%swap3A, %swap3A_238] {strides = array<i32>} : memref<50x64xf32, #tpu.memory_space<vmem>>, vector<1x16xf32>,
        %swap3A_240 = vector.shape_cast %swap3A_239 : vector<1x16xf32> to vector<16xf32>
        %swap3A_241 = vector.shape_cast %get3A_237 : vector<16xf32> to vector<1x16xf32>
        tpu.vector_store %arg12[%swap3A, %swap3A_238], %swap3A_241 {strides = array<i32>} : memref<50x64xf32, #tpu.memory_space<vmem>>, vector<1x16xf32>,
        %get3A_242 = arith.index_cast %scan3A_234 : i32 to index
        %get3A_243 = arith.constant 16 : index
        %get3A_244 = tpu.vector_load %arg8[%get3A_242, %get3A_243] {strides = array<i32>} : memref<50x128xf32, #tpu.memory_space<vmem>>, vector<1x16xf32>,
        %get3A_245 = vector.shape_cast %get3A_244 : vector<1x16xf32> to vector<16xf32>
        %swap3A_246 = arith.index_cast %scan3A_234 : i32 to index
        %swap3A_247 = arith.constant 16 : index
        %swap3A_248 = tpu.vector_load %arg12[%swap3A_246, %swap3A_247] {strides = array<i32>} : memref<50x64xf32, #tpu.memory_space<vmem>>, vector<1x16xf32>,
        %swap3A_249 = vector.shape_cast %swap3A_248 : vector<1x16xf32> to vector<16xf32>
        %swap3A_250 = vector.shape_cast %get3A_245 : vector<16xf32> to vector<1x16xf32>
        tpu.vector_store %arg12[%swap3A_246, %swap3A_247], %swap3A_250 {strides = array<i32>} : memref<50x64xf32, #tpu.memory_space<vmem>>, vector<1x16xf32>,
        %get3A_251 = arith.index_cast %scan3A_234 : i32 to index
        %get3A_252 = arith.constant 32 : index
        %get3A_253 = tpu.vector_load %arg8[%get3A_251, %get3A_252] {strides = array<i32>} : memref<50x128xf32, #tpu.memory_space<vmem>>, vector<1x16xf32>,
        %get3A_254 = vector.shape_cast %get3A_253 : vector<1x16xf32> to vector<16xf32>
        %swap3A_255 = arith.index_cast %scan3A_234 : i32 to index
        %swap3A_256 = arith.constant 32 : index
        %swap3A_257 = tpu.vector_load %arg12[%swap3A_255, %swap3A_256] {strides = array<i32>} : memref<50x64xf32, #tpu.memory_space<vmem>>, vector<1x16xf32>,
        %swap3A_258 = vector.shape_cast %swap3A_257 : vector<1x16xf32> to vector<16xf32>
        %swap3A_259 = vector.shape_cast %get3A_254 : vector<16xf32> to vector<1x16xf32>
        tpu.vector_store %arg12[%swap3A_255, %swap3A_256], %swap3A_259 {strides = array<i32>} : memref<50x64xf32, #tpu.memory_space<vmem>>, vector<1x16xf32>,
        %get3A_260 = arith.index_cast %scan3A_234 : i32 to index
        %get3A_261 = arith.constant 48 : index
        %get3A_262 = tpu.vector_load %arg8[%get3A_260, %get3A_261] {strides = array<i32>} : memref<50x128xf32, #tpu.memory_space<vmem>>, vector<1x16xf32>,
        %get3A_263 = vector.shape_cast %get3A_262 : vector<1x16xf32> to vector<16xf32>
        %swap3A_264 = arith.index_cast %scan3A_234 : i32 to index
        %swap3A_265 = arith.constant 48 : index
        %swap3A_266 = tpu.vector_load %arg12[%swap3A_264, %swap3A_265] {strides = array<i32>} : memref<50x64xf32, #tpu.memory_space<vmem>>, vector<1x16xf32>,
        %swap3A_267 = vector.shape_cast %swap3A_266 : vector<1x16xf32> to vector<16xf32>
        %swap3A_268 = vector.shape_cast %get3A_263 : vector<16xf32> to vector<1x16xf32>
        tpu.vector_store %arg12[%swap3A_264, %swap3A_265], %swap3A_268 {strides = array<i32>} : memref<50x64xf32, #tpu.memory_space<vmem>>, vector<1x16xf32>,
      }
      %scan3A_180 = arith.constant 50 : i32
      %add3A_181 = arith.addi %mul3A_2, %add3A_163 : i32
      %dma_start3A_182 = arith.constant 0 : i32
      %dma_start3A_183 = arith.constant 0 : i32
      %dma_start3A_184 = tpu.memref_slice %arg4[%add3A_181, %dma_start3A_182, %dma_start3A_183] : memref<4096x50x64xf32, #tpu.memory_space<hbm>> -> memref<1x50x64xf32, #tpu.memory_space<hbm>>
      %dma_start3A_185 = tpu.memref_squeeze %dma_start3A_184 : memref<1x50x64xf32, #tpu.memory_space<hbm>> -> memref<50x64xf32, #tpu.memory_space<hbm>>
      %dma_start3A_186 = arith.constant 0 : i32
      %dma_start3A_187 = arith.constant 0 : i32
      %dma_start3A_188 = tpu.memref_slice %arg4[%add3A_181, %dma_start3A_186, %dma_start3A_187] : memref<4096x50x64xf32, #tpu.memory_space<hbm>> -> memref<1x50x64xf32, #tpu.memory_space<hbm>>
      %dma_start3A_189 = tpu.memref_squeeze %dma_start3A_188 : memref<1x50x64xf32, #tpu.memory_space<hbm>> -> memref<50x64xf32, #tpu.memory_space<hbm>>
      tpu.enqueue_dma source(%arg12 : memref<50x64xf32, #tpu.memory_space<vmem>>) target(%dma_start3A_189 : memref<50x64xf32, #tpu.memory_space<hbm>>) target_semaphore(%arg20 : memref<!tpu.dma_semaphore, #tpu.memory_space<semaphore_mem>>)
      %add3A_190 = arith.constant 4 : i32
      %add3A_191 = arith.addi %add3A_163, %add3A_190 : i32
      %lt3A_192 = arith.constant 128 : i32
      %lt3A_193 = arith.cmpi slt, %add3A_191, %lt3A_192 : i32
      %convert_element_type3A_194 = arith.extui %lt3A_193 : i1 to i32
      %cond3A_195 = arith.constant 0 : i32
      %cond3A_196 = arith.cmpi ne, %convert_element_type3A_194, %cond3A_195 : i32
      scf.if %cond3A_196 {
        %dma_start3A_234 = arith.constant 0 : i32
        %dma_start3A_235 = tpu.memref_slice %arg5[%add3A_191, %dma_start3A_234] : memref<128x50xi32, #tpu.memory_space<vmem>> -> memref<1x50xi32, #tpu.memory_space<vmem>>
        %dma_start3A_236 = tpu.memref_squeeze %dma_start3A_235 : memref<1x50xi32, #tpu.memory_space<vmem>> -> memref<50xi32, #tpu.memory_space<vmem>>
        %dma_start3A_237 = arith.constant 0 : i32
        %dma_start3A_238 = arith.constant 0 : i32
        %dma_start3A_239 = tpu.memref_slice %arg2[%dma_start3A_237, %dma_start3A_238] : memref<100000x128xf32, #tpu.memory_space<hbm>> -> memref<100000x128xf32, #tpu.memory_space<hbm>>
        tpu.enqueue_indirect_dma source(%dma_start3A_239 : memref<100000x128xf32, #tpu.memory_space<hbm>>) target(%arg8 : memref<50x128xf32, #tpu.memory_space<vmem>>) offsets(%dma_start3A_236 : memref<50xi32, #tpu.memory_space<vmem>>) semaphore(%arg16 : memref<!tpu.dma_semaphore, #tpu.memory_space<semaphore_mem>>)
      } else {
      }
      %mul3A_197 = arith.constant 4 : i32
      %mul3A_198 = arith.muli %scan3A_89, %mul3A_197 : i32
      %add3A_199 = arith.constant 3 : i32
      %add3A_200 = arith.addi %mul3A_198, %add3A_199 : i32
      %dma_wait3A_201 = arith.constant 0 : i32
      %dma_wait3A_202 = tpu.memref_slice %arg5[%add3A_200, %dma_wait3A_201] : memref<128x50xi32, #tpu.memory_space<vmem>> -> memref<1x50xi32, #tpu.memory_space<vmem>>
      %dma_wait3A_203 = tpu.memref_squeeze %dma_wait3A_202 : memref<1x50xi32, #tpu.memory_space<vmem>> -> memref<50xi32, #tpu.memory_space<vmem>>
      %dma_wait3A_204 = arith.constant 0 : i32
      %dma_wait3A_205 = arith.constant 0 : i32
      %dma_wait3A_206 = tpu.memref_slice %arg2[%dma_wait3A_204, %dma_wait3A_205] : memref<100000x128xf32, #tpu.memory_space<hbm>> -> memref<100000x128xf32, #tpu.memory_space<hbm>>
      tpu.wait_indirect_dma semaphore(%arg17 : memref<!tpu.dma_semaphore, #tpu.memory_space<semaphore_mem>>) src(%dma_wait3A_206 : memref<100000x128xf32, #tpu.memory_space<hbm>>) dst(%arg9 : memref<50x128xf32, #tpu.memory_space<vmem>>)
      %gt3A_207 = arith.constant 0 : i32
      %gt3A_208 = arith.cmpi sgt, %scan3A_89, %gt3A_207 : i32
      %convert_element_type3A_209 = arith.extui %gt3A_208 : i1 to i32
      %cond3A_210 = arith.constant 0 : i32
      %cond3A_211 = arith.cmpi ne, %convert_element_type3A_209, %cond3A_210 : i32
      scf.if %cond3A_211 {
        %add3A_234 = arith.addi %mul3A_2, %add3A_200 : i32
        %sub3A_235 = arith.constant 4 : i32
        %sub3A_236 = arith.subi %add3A_234, %sub3A_235 : i32
        %dma_wait3A_237 = arith.constant 0 : i32
        %dma_wait3A_238 = arith.constant 0 : i32
        %dma_wait3A_239 = tpu.memref_slice %arg4[%sub3A_236, %dma_wait3A_237, %dma_wait3A_238] : memref<4096x50x64xf32, #tpu.memory_space<hbm>> -> memref<1x50x64xf32, #tpu.memory_space<hbm>>
        %dma_wait3A_240 = tpu.memref_squeeze %dma_wait3A_239 : memref<1x50x64xf32, #tpu.memory_space<hbm>> -> memref<50x64xf32, #tpu.memory_space<hbm>>
        %dma_wait3A_241 = arith.constant 0 : i32
        %dma_wait3A_242 = arith.constant 0 : i32
        %dma_wait3A_243 = tpu.memref_slice %arg4[%sub3A_236, %dma_wait3A_241, %dma_wait3A_242] : memref<4096x50x64xf32, #tpu.memory_space<hbm>> -> memref<1x50x64xf32, #tpu.memory_space<hbm>>
        %dma_wait3A_244 = tpu.memref_squeeze %dma_wait3A_243 : memref<1x50x64xf32, #tpu.memory_space<hbm>> -> memref<50x64xf32, #tpu.memory_space<hbm>>
        tpu.wait_dma2 semaphore(%arg21 : memref<!tpu.dma_semaphore, #tpu.memory_space<semaphore_mem>>) src(%arg13 : memref<50x64xf32, #tpu.memory_space<vmem>>) dst(%dma_wait3A_244 : memref<50x64xf32, #tpu.memory_space<hbm>>)
      } else {
      }
      %scan3A_212 = arith.constant 0 : i32
      %scan3A_213 = arith.constant 0 : i32
      %scan3A_214 = arith.constant 50 : i32
      %scan3A_215 = arith.addi %scan3A_213, %scan3A_214 : i32
      %scan3A_216 = arith.constant 1 : i32
      scf.for %scan3A_234 = %scan3A_213 to %scan3A_215 step %scan3A_216  : i32 {
        %get3A = arith.index_cast %scan3A_234 : i32 to index
        %get3A_235 = arith.constant 0 : index
        %get3A_236 = tpu.vector_load %arg9[%get3A, %get3A_235] {strides = array<i32>} : memref<50x128xf32, #tpu.memory_space<vmem>>, vector<1x16xf32>,
        %get3A_237 = vector.shape_cast %get3A_236 : vector<1x16xf32> to vector<16xf32>
        %swap3A = arith.index_cast %scan3A_234 : i32 to index
        %swap3A_238 = arith.constant 0 : index
        %swap3A_239 = tpu.vector_load %arg13[%swap3A, %swap3A_238] {strides = array<i32>} : memref<50x64xf32, #tpu.memory_space<vmem>>, vector<1x16xf32>,
        %swap3A_240 = vector.shape_cast %swap3A_239 : vector<1x16xf32> to vector<16xf32>
        %swap3A_241 = vector.shape_cast %get3A_237 : vector<16xf32> to vector<1x16xf32>
        tpu.vector_store %arg13[%swap3A, %swap3A_238], %swap3A_241 {strides = array<i32>} : memref<50x64xf32, #tpu.memory_space<vmem>>, vector<1x16xf32>,
        %get3A_242 = arith.index_cast %scan3A_234 : i32 to index
        %get3A_243 = arith.constant 16 : index
        %get3A_244 = tpu.vector_load %arg9[%get3A_242, %get3A_243] {strides = array<i32>} : memref<50x128xf32, #tpu.memory_space<vmem>>, vector<1x16xf32>,
        %get3A_245 = vector.shape_cast %get3A_244 : vector<1x16xf32> to vector<16xf32>
        %swap3A_246 = arith.index_cast %scan3A_234 : i32 to index
        %swap3A_247 = arith.constant 16 : index
        %swap3A_248 = tpu.vector_load %arg13[%swap3A_246, %swap3A_247] {strides = array<i32>} : memref<50x64xf32, #tpu.memory_space<vmem>>, vector<1x16xf32>,
        %swap3A_249 = vector.shape_cast %swap3A_248 : vector<1x16xf32> to vector<16xf32>
        %swap3A_250 = vector.shape_cast %get3A_245 : vector<16xf32> to vector<1x16xf32>
        tpu.vector_store %arg13[%swap3A_246, %swap3A_247], %swap3A_250 {strides = array<i32>} : memref<50x64xf32, #tpu.memory_space<vmem>>, vector<1x16xf32>,
        %get3A_251 = arith.index_cast %scan3A_234 : i32 to index
        %get3A_252 = arith.constant 32 : index
        %get3A_253 = tpu.vector_load %arg9[%get3A_251, %get3A_252] {strides = array<i32>} : memref<50x128xf32, #tpu.memory_space<vmem>>, vector<1x16xf32>,
        %get3A_254 = vector.shape_cast %get3A_253 : vector<1x16xf32> to vector<16xf32>
        %swap3A_255 = arith.index_cast %scan3A_234 : i32 to index
        %swap3A_256 = arith.constant 32 : index
        %swap3A_257 = tpu.vector_load %arg13[%swap3A_255, %swap3A_256] {strides = array<i32>} : memref<50x64xf32, #tpu.memory_space<vmem>>, vector<1x16xf32>,
        %swap3A_258 = vector.shape_cast %swap3A_257 : vector<1x16xf32> to vector<16xf32>
        %swap3A_259 = vector.shape_cast %get3A_254 : vector<16xf32> to vector<1x16xf32>
        tpu.vector_store %arg13[%swap3A_255, %swap3A_256], %swap3A_259 {strides = array<i32>} : memref<50x64xf32, #tpu.memory_space<vmem>>, vector<1x16xf32>,
        %get3A_260 = arith.index_cast %scan3A_234 : i32 to index
        %get3A_261 = arith.constant 48 : index
        %get3A_262 = tpu.vector_load %arg9[%get3A_260, %get3A_261] {strides = array<i32>} : memref<50x128xf32, #tpu.memory_space<vmem>>, vector<1x16xf32>,
        %get3A_263 = vector.shape_cast %get3A_262 : vector<1x16xf32> to vector<16xf32>
        %swap3A_264 = arith.index_cast %scan3A_234 : i32 to index
        %swap3A_265 = arith.constant 48 : index
        %swap3A_266 = tpu.vector_load %arg13[%swap3A_264, %swap3A_265] {strides = array<i32>} : memref<50x64xf32, #tpu.memory_space<vmem>>, vector<1x16xf32>,
        %swap3A_267 = vector.shape_cast %swap3A_266 : vector<1x16xf32> to vector<16xf32>
        %swap3A_268 = vector.shape_cast %get3A_263 : vector<16xf32> to vector<1x16xf32>
        tpu.vector_store %arg13[%swap3A_264, %swap3A_265], %swap3A_268 {strides = array<i32>} : memref<50x64xf32, #tpu.memory_space<vmem>>, vector<1x16xf32>,
      }
      %scan3A_217 = arith.constant 50 : i32
      %add3A_218 = arith.addi %mul3A_2, %add3A_200 : i32
      %dma_start3A_219 = arith.constant 0 : i32
      %dma_start3A_220 = arith.constant 0 : i32
      %dma_start3A_221 = tpu.memref_slice %arg4[%add3A_218, %dma_start3A_219, %dma_start3A_220] : memref<4096x50x64xf32, #tpu.memory_space<hbm>> -> memref<1x50x64xf32, #tpu.memory_space<hbm>>
      %dma_start3A_222 = tpu.memref_squeeze %dma_start3A_221 : memref<1x50x64xf32, #tpu.memory_space<hbm>> -> memref<50x64xf32, #tpu.memory_space<hbm>>
      %dma_start3A_223 = arith.constant 0 : i32
      %dma_start3A_224 = arith.constant 0 : i32
      %dma_start3A_225 = tpu.memref_slice %arg4[%add3A_218, %dma_start3A_223, %dma_start3A_224] : memref<4096x50x64xf32, #tpu.memory_space<hbm>> -> memref<1x50x64xf32, #tpu.memory_space<hbm>>
      %dma_start3A_226 = tpu.memref_squeeze %dma_start3A_225 : memref<1x50x64xf32, #tpu.memory_space<hbm>> -> memref<50x64xf32, #tpu.memory_space<hbm>>
      tpu.enqueue_dma source(%arg13 : memref<50x64xf32, #tpu.memory_space<vmem>>) target(%dma_start3A_226 : memref<50x64xf32, #tpu.memory_space<hbm>>) target_semaphore(%arg21 : memref<!tpu.dma_semaphore, #tpu.memory_space<semaphore_mem>>)
      %add3A_227 = arith.constant 4 : i32
      %add3A_228 = arith.addi %add3A_200, %add3A_227 : i32
      %lt3A_229 = arith.constant 128 : i32
      %lt3A_230 = arith.cmpi slt, %add3A_228, %lt3A_229 : i32
      %convert_element_type3A_231 = arith.extui %lt3A_230 : i1 to i32
      %cond3A_232 = arith.constant 0 : i32
      %cond3A_233 = arith.cmpi ne, %convert_element_type3A_231, %cond3A_232 : i32
      scf.if %cond3A_233 {
        %dma_start3A_234 = arith.constant 0 : i32
        %dma_start3A_235 = tpu.memref_slice %arg5[%add3A_228, %dma_start3A_234] : memref<128x50xi32, #tpu.memory_space<vmem>> -> memref<1x50xi32, #tpu.memory_space<vmem>>
        %dma_start3A_236 = tpu.memref_squeeze %dma_start3A_235 : memref<1x50xi32, #tpu.memory_space<vmem>> -> memref<50xi32, #tpu.memory_space<vmem>>
        %dma_start3A_237 = arith.constant 0 : i32
        %dma_start3A_238 = arith.constant 0 : i32
        %dma_start3A_239 = tpu.memref_slice %arg2[%dma_start3A_237, %dma_start3A_238] : memref<100000x128xf32, #tpu.memory_space<hbm>> -> memref<100000x128xf32, #tpu.memory_space<hbm>>
        tpu.enqueue_indirect_dma source(%dma_start3A_239 : memref<100000x128xf32, #tpu.memory_space<hbm>>) target(%arg9 : memref<50x128xf32, #tpu.memory_space<vmem>>) offsets(%dma_start3A_236 : memref<50xi32, #tpu.memory_space<vmem>>) semaphore(%arg17 : memref<!tpu.dma_semaphore, #tpu.memory_space<semaphore_mem>>)
      } else {
      }
    }
    %scan3A_34 = arith.constant 32 : i32
    %add3A_35 = arith.constant 128 : i32
    %add3A_36 = arith.addi %mul3A_2, %add3A_35 : i32
    %sub3A = arith.constant 4 : i32
    %sub3A_37 = arith.subi %add3A_36, %sub3A : i32
    %add3A_38 = arith.constant 0 : i32
    %add3A_39 = arith.addi %sub3A_37, %add3A_38 : i32
    %dma_wait3A = arith.constant 0 : i32
    %dma_wait3A_40 = arith.constant 0 : i32
    %dma_wait3A_41 = tpu.memref_slice %arg4[%add3A_39, %dma_wait3A, %dma_wait3A_40] : memref<4096x50x64xf32, #tpu.memory_space<hbm>> -> memref<1x50x64xf32, #tpu.memory_space<hbm>>
    %dma_wait3A_42 = tpu.memref_squeeze %dma_wait3A_41 : memref<1x50x64xf32, #tpu.memory_space<hbm>> -> memref<50x64xf32, #tpu.memory_space<hbm>>
    %dma_wait3A_43 = arith.constant 0 : i32
    %dma_wait3A_44 = arith.constant 0 : i32
    %dma_wait3A_45 = tpu.memref_slice %arg4[%add3A_39, %dma_wait3A_43, %dma_wait3A_44] : memref<4096x50x64xf32, #tpu.memory_space<hbm>> -> memref<1x50x64xf32, #tpu.memory_space<hbm>>
    %dma_wait3A_46 = tpu.memref_squeeze %dma_wait3A_45 : memref<1x50x64xf32, #tpu.memory_space<hbm>> -> memref<50x64xf32, #tpu.memory_space<hbm>>
    tpu.wait_dma2 semaphore(%arg18 : memref<!tpu.dma_semaphore, #tpu.memory_space<semaphore_mem>>) src(%arg10 : memref<50x64xf32, #tpu.memory_space<vmem>>) dst(%dma_wait3A_46 : memref<50x64xf32, #tpu.memory_space<hbm>>)
    %add3A_47 = arith.constant 128 : i32
    %add3A_48 = arith.addi %mul3A_2, %add3A_47 : i32
    %sub3A_49 = arith.constant 4 : i32
    %sub3A_50 = arith.subi %add3A_48, %sub3A_49 : i32
    %add3A_51 = arith.constant 1 : i32
    %add3A_52 = arith.addi %sub3A_50, %add3A_51 : i32
    %dma_wait3A_53 = arith.constant 0 : i32
    %dma_wait3A_54 = arith.constant 0 : i32
    %dma_wait3A_55 = tpu.memref_slice %arg4[%add3A_52, %dma_wait3A_53, %dma_wait3A_54] : memref<4096x50x64xf32, #tpu.memory_space<hbm>> -> memref<1x50x64xf32, #tpu.memory_space<hbm>>
    %dma_wait3A_56 = tpu.memref_squeeze %dma_wait3A_55 : memref<1x50x64xf32, #tpu.memory_space<hbm>> -> memref<50x64xf32, #tpu.memory_space<hbm>>
    %dma_wait3A_57 = arith.constant 0 : i32
    %dma_wait3A_58 = arith.constant 0 : i32
    %dma_wait3A_59 = tpu.memref_slice %arg4[%add3A_52, %dma_wait3A_57, %dma_wait3A_58] : memref<4096x50x64xf32, #tpu.memory_space<hbm>> -> memref<1x50x64xf32, #tpu.memory_space<hbm>>
    %dma_wait3A_60 = tpu.memref_squeeze %dma_wait3A_59 : memref<1x50x64xf32, #tpu.memory_space<hbm>> -> memref<50x64xf32, #tpu.memory_space<hbm>>
    tpu.wait_dma2 semaphore(%arg19 : memref<!tpu.dma_semaphore, #tpu.memory_space<semaphore_mem>>) src(%arg11 : memref<50x64xf32, #tpu.memory_space<vmem>>) dst(%dma_wait3A_60 : memref<50x64xf32, #tpu.memory_space<hbm>>)
    %add3A_61 = arith.constant 128 : i32
    %add3A_62 = arith.addi %mul3A_2, %add3A_61 : i32
    %sub3A_63 = arith.constant 4 : i32
    %sub3A_64 = arith.subi %add3A_62, %sub3A_63 : i32
    %add3A_65 = arith.constant 2 : i32
    %add3A_66 = arith.addi %sub3A_64, %add3A_65 : i32
    %dma_wait3A_67 = arith.constant 0 : i32
    %dma_wait3A_68 = arith.constant 0 : i32
    %dma_wait3A_69 = tpu.memref_slice %arg4[%add3A_66, %dma_wait3A_67, %dma_wait3A_68] : memref<4096x50x64xf32, #tpu.memory_space<hbm>> -> memref<1x50x64xf32, #tpu.memory_space<hbm>>
    %dma_wait3A_70 = tpu.memref_squeeze %dma_wait3A_69 : memref<1x50x64xf32, #tpu.memory_space<hbm>> -> memref<50x64xf32, #tpu.memory_space<hbm>>
    %dma_wait3A_71 = arith.constant 0 : i32
    %dma_wait3A_72 = arith.constant 0 : i32
    %dma_wait3A_73 = tpu.memref_slice %arg4[%add3A_66, %dma_wait3A_71, %dma_wait3A_72] : memref<4096x50x64xf32, #tpu.memory_space<hbm>> -> memref<1x50x64xf32, #tpu.memory_space<hbm>>
    %dma_wait3A_74 = tpu.memref_squeeze %dma_wait3A_73 : memref<1x50x64xf32, #tpu.memory_space<hbm>> -> memref<50x64xf32, #tpu.memory_space<hbm>>
    tpu.wait_dma2 semaphore(%arg20 : memref<!tpu.dma_semaphore, #tpu.memory_space<semaphore_mem>>) src(%arg12 : memref<50x64xf32, #tpu.memory_space<vmem>>) dst(%dma_wait3A_74 : memref<50x64xf32, #tpu.memory_space<hbm>>)
    %add3A_75 = arith.constant 128 : i32
    %add3A_76 = arith.addi %mul3A_2, %add3A_75 : i32
    %sub3A_77 = arith.constant 4 : i32
    %sub3A_78 = arith.subi %add3A_76, %sub3A_77 : i32
    %add3A_79 = arith.constant 3 : i32
    %add3A_80 = arith.addi %sub3A_78, %add3A_79 : i32
    %dma_wait3A_81 = arith.constant 0 : i32
    %dma_wait3A_82 = arith.constant 0 : i32
    %dma_wait3A_83 = tpu.memref_slice %arg4[%add3A_80, %dma_wait3A_81, %dma_wait3A_82] : memref<4096x50x64xf32, #tpu.memory_space<hbm>> -> memref<1x50x64xf32, #tpu.memory_space<hbm>>
    %dma_wait3A_84 = tpu.memref_squeeze %dma_wait3A_83 : memref<1x50x64xf32, #tpu.memory_space<hbm>> -> memref<50x64xf32, #tpu.memory_space<hbm>>
    %dma_wait3A_85 = arith.constant 0 : i32
    %dma_wait3A_86 = arith.constant 0 : i32
    %dma_wait3A_87 = tpu.memref_slice %arg4[%add3A_80, %dma_wait3A_85, %dma_wait3A_86] : memref<4096x50x64xf32, #tpu.memory_space<hbm>> -> memref<1x50x64xf32, #tpu.memory_space<hbm>>
    %dma_wait3A_88 = tpu.memref_squeeze %dma_wait3A_87 : memref<1x50x64xf32, #tpu.memory_space<hbm>> -> memref<50x64xf32, #tpu.memory_space<hbm>>
    tpu.wait_dma2 semaphore(%arg21 : memref<!tpu.dma_semaphore, #tpu.memory_space<semaphore_mem>>) src(%arg13 : memref<50x64xf32, #tpu.memory_space<vmem>>) dst(%dma_wait3A_88 : memref<50x64xf32, #tpu.memory_space<hbm>>)
    return
  }
}

</mosaic_0001>

<sc_bundles>
// kernel: kernel.3.cloned.1.call-start
scs
__scs_entry_jumppad:
0x0: {  	(pc) =	sbr.rel $0x88, $3  }
0x1: {  	(tag) =	ssettag $0x0;
	lr =	simm.s32 $0x1  }
0x2: {  	[smem:$0x3F9F] =	sst lr;
	_ =	strace $0xD0000000  }
0x3: {  	_ = 	snop  }
0x4: {  	_ = 	snop  }
0x5: {  	_ = 	snop  }
0x6: {  	_ = 	snop  }
0x7: {  	_ = 	snop  }
__scs_overlays_trampoline_lowered:
0x8: {  	[smem:$0x3FAE] =	sst s0  }
0x9: {  	[smem:$0x3FAF] =	sst s1  }
0xa: {  	[smem:$0x3FB0] =	sst s2  }
0xb: {  	[smem:$0x3FB1] =	sst s3  }
0xc: {  	[smem:$0x3FB2] =	sst s4  }
0xd: {  	[smem:$0x3FB3] =	sst s5  }
0xe: {  	[smem:$0x3FB4] =	sst s6  }
0xf: {  	[smem:$0x3FB5] =	sst s7  }
0x10: {  	[smem:$0x3FB6] =	sst s8  }
0x11: {  	[smem:$0x3FB7] =	sst s9;
	s0 =	simm.s32 @!p0 $0x0  }
0x12: {  	s1 =	sld [smem:$0x3F9D];
	s0 =	simm.s32 @p0 $0x1  }
0x13: {  	[smem:$0x3FB8] =	sst s0;
	s0 =	simm.s32 @!p1 $0x0  }
0x14: {  	s2 =	sld [smem:$0x3F9C];
	s0 =	simm.s32 @p1 $0x1  }
0x15: {  	[smem:$0x3FB9] =	sst s0;
	s0 =	simm.s32 @!p2 $0x0  }
0x16: {  	s3 =	sld [smem:$0x3FDB];
	s0 =	simm.s32 @p2 $0x1  }
0x17: {  	s4 =	simm.s32 $0x1BF5;
	[smem:$0x3FBB] =	sst s0  }
0x18: {  	s0 =	sld [smem:$0x3F9E];
	_ =	swait.ge [sflag:s4], $0x0  }
0x19: {  	s7 =	sld [smem:$0x3F9F]  }
0x1a: {  	s8 =	sadd.s32 $0xFFFFE003, lr  }
0x1b: {  	s9 =	sadd.s32 $0xFFFFFEF7, lr;
	s5 =	simm.s32 $0xFFFFFFFF;
	p2 =	slt.u32 s8, $0xFFFFF086  }
0x1c: {  	p1 =	slt.u32 s9, $0xF7A;
	s5 =	simm.s32 @!p2 $0x0  }
0x1d: {  	s5 =	simm.s32 @p1 $0x1;
	p0 =	seq.s32 s7, s2  }
0x1e: {  	s7 =	smul.u32 @!p0 $0xF7A, s2;
	p2 =	seq.s32 @!p0 s5, $0x0  }
0x1f: {  	s9 =	smul.u32 $0xF7A, s1;
	s8 =	simm.s32 @!p0 $0x1BF5;
	p2 =	por !p2, p0  }
0x20: {  	[sflag:s8] =	ssyncset.s32 @!p0 $0xFFFFF086;
	s6 =	sadd.s32 @!p0 s3, s7;
	s7 =	simm.s32 @!p0 $0x108  }
0x21: {  	s3 =	sadd.s32 s3, s9;
	s6 =	sadd.s32 @!p0 $0x88, s6;
	s7 =	simm.s32 @p2 $0x1082  }
0x22: {  	[simem:s7], [sflag:s8] =	dma.local @!p0 [hbm:s6], $0xF7A  }
0x23: {  	s9 =	sor.u32 $0xD0000000, s2;
	s6 =	simm.s32 $0x108;
	_ =	swait.ge @!p0 [sflag:s8], $0x0  }
0x24: {  	s3 =	sadd.s32 $0x88, s3;
	s6 =	simm.s32 @!p1 $0x1082;
	[sflag:s4] =	ssyncset.s32 $0xFFFFF086  }
0x25: {  	[simem:s6], [sflag:s4] =	dma.local [hbm:s3], $0xF7A  }
0x26: {  	[smem:$0x3F9F] =	sst s1;
	(tag) =	ssettag s2;
	_ =	strace s9  }
0x27: {  	s1 =	sld [smem:$0x3FAF]  }
0x28: {  	s2 =	sld [smem:$0x3FB0]  }
0x29: {  	s4 =	sld [smem:$0x3FB2]  }
0x2a: {  	p0 =	seq.s32 s5, $0x0;
	s5 =	sld [smem:$0x3FB3]  }
0x2b: {  	s6 =	sld [smem:$0x3FB4]  }
0x2c: {  	s7 =	sld [smem:$0x3FB5]  }
0x2d: {  	s3 =	simm.s32 $0x108;
	s8 =	sld [smem:$0x3FB6]  }
0x2e: {  	s3 =	simm.s32 @!p0 $0x1082;
	s9 =	sld [smem:$0x3FB7]  }
0x2f: {  	lr =	sadd.s32 s0, s3;
	s0 =	sld [smem:$0x3FAE]  }
0x30: {  	s3 =	sld [smem:$0x3FB1]  }
0x31: {  	[smem:$0x3FBA] =	sst s10  }
0x32: {  	s10 =	sld [smem:$0x3FB8];
	_ =	sdelay $0x3  }
0x33: {  	p0 =	seq.s32 s10, $0x1;
	s10 =	sld [smem:$0x3FBA];
	_ =	sdelay $0x3  }
0x34: {  	[smem:$0x3FBA] =	sst s10  }
0x35: {  	s10 =	sld [smem:$0x3FB9];
	_ =	sdelay $0x3  }
0x36: {  	p1 =	seq.s32 s10, $0x1;
	s10 =	sld [smem:$0x3FBA];
	_ =	sdelay $0x3  }
0x37: {  	[smem:$0x3FBA] =	sst s10  }
0x38: {  	s10 =	sld [smem:$0x3FBB]  }
0x39: {  	_ = 	snop;
	(pc) =	sbr.ind lr, $3  }
0x3a: {  	_ = 	snop  }
0x3b: {  	_ = 	snop  }
0x3c: {  	p2 =	seq.s32 s10, $0x1;
	s10 =	sld [smem:$0x3FBA]  }
0x3d: {  	_ =	shalt  }
0x3e: {  	_ =	shalt  }
0x3f: {  	_ =	shalt  }
0x40: {  	_ =	shalt  }
0x41: {  	_ =	shalt  }
0x42: {  	_ =	shalt  }
0x43: {  	_ =	shalt  }
0x44: {  	_ =	shalt  }
0x45: {  	_ =	shalt  }
0x46: {  	_ =	shalt  }
0x47: {  	_ =	shalt  }
0x48: {  	_ =	shalt  }
0x49: {  	_ =	shalt  }
0x4a: {  	_ =	shalt  }
0x4b: {  	_ =	shalt  }
0x4c: {  	_ =	shalt  }
0x4d: {  	_ =	shalt  }
0x4e: {  	_ =	shalt  }
0x4f: {  	_ =	shalt  }
0x50: {  	_ =	shalt  }
0x51: {  	_ =	shalt  }
0x52: {  	_ =	shalt  }
0x53: {  	_ =	shalt  }
0x54: {  	_ =	shalt  }
0x55: {  	_ =	shalt  }
0x56: {  	_ =	shalt  }
0x57: {  	_ =	shalt  }
0x58: {  	_ =	shalt  }
0x59: {  	_ =	shalt  }
0x5a: {  	_ =	shalt  }
0x5b: {  	_ =	shalt  }
0x5c: {  	_ =	shalt  }
0x5d: {  	_ =	shalt  }
0x5e: {  	_ =	shalt  }
0x5f: {  	_ =	shalt  }
0x60: {  	_ =	shalt  }
0x61: {  	_ =	shalt  }
0x62: {  	_ =	shalt  }
0x63: {  	_ =	shalt  }
0x64: {  	_ =	shalt  }
0x65: {  	_ =	shalt  }
0x66: {  	_ =	shalt  }
0x67: {  	_ =	shalt  }
0x68: {  	_ =	shalt  }
0x69: {  	_ =	shalt  }
0x6a: {  	_ =	shalt  }
0x6b: {  	_ =	shalt  }
0x6c: {  	_ =	shalt  }
0x6d: {  	_ =	shalt  }
0x6e: {  	_ =	shalt  }
0x6f: {  	_ =	shalt  }
0x70: {  	_ =	shalt  }
0x71: {  	_ =	shalt  }
0x72: {  	_ =	shalt  }
0x73: {  	_ =	shalt  }
0x74: {  	_ =	shalt  }
0x75: {  	_ =	shalt  }
0x76: {  	_ =	shalt  }
0x77: {  	_ =	shalt  }
0x78: {  	_ =	shalt  }
0x79: {  	_ =	shalt  }
0x7a: {  	_ =	shalt  }
0x7b: {  	_ =	shalt  }
0x7c: {  	_ =	shalt  }
0x7d: {  	_ =	shalt  }
0x7e: {  	_ =	shalt  }
0x7f: {  	_ =	shalt  }
0x80: {  	_ =	shalt  }
0x81: {  	_ =	shalt  }
0x82: {  	_ =	shalt  }
0x83: {  	_ =	shalt  }
0x84: {  	_ =	shalt  }
0x85: {  	_ =	shalt  }
0x86: {  	_ =	shalt  }
0x87: {  	_ =	shalt  }
.Lfunc_end0:
.L_simem_size_0:
called_computation_lowered:
.L_overlay_start_0:
0x88: {  	s2 =	sld [smem:$0x3FD9]  }
0x89: {  	s3 =	sld [smem:$0x3FFE];
	_ =	sdelay $0x1  }
0x8a: {  	s1 =	srdreg.scid  }
0x8b: {  	s0 =	sand.u32 $0x1, s1  }
0x8c: {  	s16 =	sshll.u32 s0, $0xA;
	s2 =	sadd.s32 s3, s2  }
0x8d: {  	s2 =	sadd.s32 s2, s16  }
0x8e: {  	[smem:$0x3FC6] =	sst s2  }
0x8f: {  	_ = 	snop  }
0x90: {  	(tm) =	ssettm $0x1  }
0x91: {  	s17 =	sld [smem:$0x3FFB];
	_ =	sdelay $0x3  }
0x92: {  	_ =	strace s17  }
0x93: {  	s2 =	sld [smem:$0x3FFC];
	_ =	sdelay $0x3  }
0x94: {  	_ =	strace s2  }
0x95: {  	s2 =	sld [smem:$0x3FFD];
	_ =	sdelay $0x3  }
0x96: {  	_ =	strace s2  }
0x97: {  	_ =	strace $0x8FFFFFFF  }
0x98: {  	s18 =	sld [smem:$0x3FDB];
	_ =	sdelay $0x1  }
0x99: {  	s19 =	simm.s32 $_scs_section_size  }
0x9a: {  	s4 =	simm.s32 $_size__tile_overlayer_lowered;
	s5 =	simm.s32 $_tile_overlayer_lowered  }
0x9b: {  	s22 =	simm.s32 $0x1BFF;
	s21 =	sshll.u32 s5, $0x1;
	s2 =	sadd.s32 s19, s18  }
0x9c: {  	s6 =	simm.s32 $0x0;
	s20 =	sshll.u32 s4, $0x1;
	s4 =	sadd.s32 s21, s2  }
0x9d: {  	[timem:s6], [sflag:s22] =	dma.local [hbm:s4], s20  }
0x9e: {  	_ =	swait.ge [sflag:s22], s20  }
0x9f: {  	s3 =	ssub.s32 $0x0, s20;
	[sflag:s22] =	ssyncset.done $0x0  }
0xa0: {  	[sflag:s22] =	ssyncadd.s32 s3;
	_ =	sdelay $0x1  }
0xa1: {  	s23 =	simm.s32 $0x1B8B  }
0xa2: {  	_ =	swait.ge [sflag:s23], $0x1  }
0xa3: {  	[sflag:s23] =	ssyncset.done $0x0  }
0xa4: {  	s25 =	simm.s32 $0x1B8E;
	s24 =	sld [smem:$0x3FFE];
	[sflag:s23] =	ssyncadd.s32 $0xFFFFFFFF  }
0xa5: {  	s26 =	simm.s32 $execute0_lowered;
	[smem:$0x3FD2] =	sst s25  }
0xa6: {  	s4 =	sshll.u32 s26, $0x1;
	_ =	strace $0x80000046;
	[dreg:$0x1] =	wrdreg $0xFFFFFFFF  }
0xa7: {  	s28 =	simm.s32 $_size_execute0_lowered;
	s2 =	sadd.s32 s2, s4;
	[dreg:$0x0] =	wrdreg $0x0  }
0xa8: {  	s4 =	sshll.u32 s28, $0x1;
	[dreg:$0x2] =	wrdreg s2  }
0xa9: {  	[dreg:$0x3] =	wrdreg s4  }
0xaa: {  	[dreg:$0x4] =	wrdreg $0xC0  }
0xab: {  	_ =	task [dreg:s6], $0x5FFFF  }
0xac: {  	[dreg:$0x1] =	wrdreg $0xFFFFFFFF  }
0xad: {  	[dreg:$0x0] =	wrdreg $0x60  }
0xae: {  	[dreg:$0x2] =	wrdreg s24  }
0xaf: {  	[dreg:$0x3] =	wrdreg $0x9  }
0xb0: {  	_ =	task.clear_ibuf [dreg:s6], $0x4FFFF;
	_ =	strace $0x90000046  }
0xb1: {  	s29 =	simm.s32 $0x9;
	_ =	strace $0x80000048  }
0xb2: {  	_ =	swait.ge [sflag:s29], $0x1  }
0xb3: {  	[sflag:s29] =	ssyncadd.s32 $0xFFFFFFFF  }
0xb4: {  	_ =	strace $0x90000048  }
0xb5: {  	_ =	sfence  }
0xb6: {  	s30 =	sld [smem:$0x0];
	_ =	sdelay $0x2  }
0xb7: {  	s31 =	sshll.u32 s1, $0xD;
	s1 =	sshrl.u32 s1, $0x2  }
0xb8: {  	s3 =	sand.u32 $0x4000, s31;
	s1 =	sadd.s32 s1, s30  }
0xb9: {  	s0 =	sor.u32 s3, s0;
	s1 =	sshll.u32 s1, $0x11  }
0xba: {  	s0 =	sor.u32 s1, s0  }
0xbb: {  	s0 =	sadd.s32 $0x8F2B, s0  }
0xbc: {  	[sflag:s0] =	ssyncadd.remote.s32 $0x1  }
0xbd: {  	_ =	sfence.sel $0xFFFF  }
0xbe: {  	[dreg:$0x0] =	wrdreg $0xFFFFFFFF;
	(pc) =	sbr.abs _section_cstart, $3  }
0xbf: {  	[dreg:$0x1] =	wrdreg $0xFFFFFFFF  }
0xc0: {  	_ =	task.clear_ibuf [dreg:s6], $0x2FFFF;
	_ =	strace $0x9FFFFFFF  }
0xc1: {  	(tm) =	ssettm $0x7FFFFFFF  }
tec
execute0_lowered:
.L_overlay_start_1:
0x0: {  	(tag) =	ssettag $0x1  }
0x1: {  	s0 =	rddreg [dreg:$0x0];
	s1 =	srdreg.scid  }
0x2: {  	s2 =	simm.s32 $0x0;
	s3 =	stileid.u32;
	s8 =	simm.s32 $0x9  }
0x3: {  	s9 =	simm.s32 $0x32;
	s14 =	simm.s32 $0x7800;
	s15 =	simm.s32 $0x180  }
0x4: {  	s16 =	simm.s32 $0x9400;
	s17 =	simm.s32 $0x1;
	s18 =	simm.s32 $0xB000  }
0x5: {  	s19 =	simm.s32 $0x2;
	s20 =	simm.s32 $0xCC00;
	s21 =	simm.s32 $0x3  }
0x6: {  	s22 =	simm.s32 $0xE800;
	s23 =	simm.s32 $0x4;
	s24 =	simm.s32 $0x10400  }
0x7: {  	s25 =	simm.s32 $0x5;
	s26 =	simm.s32 $0x6;
	s28 =	simm.s32 $0x7  }
0x8: {  	s29 =	simm.s32 $0x8;
	s30 =	simm.s32 $0x0;
	s1 =	sand.u32 $0x1, s1  }
.Ltmp0:
0x9: {  	s3 =	sshll.u32 s3, $0x8;
	s4 =	sshll.u32 s1, $0x7;
	(pc) =	sbr.rel .LBB2_1-.Ltmp0, $4  }
0xa: {  	[smem:$0x7FF] =	sst s2;
	s1 =	ssub.s32 $0x2, s1;
	s3 =	sor.u32 s4, s3  }
0xb: {  	_ =	strace $0x80000047;
	s6 =	sshrl.u32 s1, $0x1;
	s5 =	sshll.u32 s3, $0x4  }
0xc: {  	s4 =	sadd.s32 $0x10400, s0;
	s31 =	ssub.s32 s1, s6;
	s7 =	sadd.s32 s5, s0  }
0xd: {  	s5 =	sadd.s32 $0x196E00, s0;
	s6 =	sadd.s32 $0x400, s7;
	s7 =	smax.u32 s31, $0x1  }
.LBB2_12:
0xe: {  	_ =	swait.ge [sflag:s25], $0x1900  }
0xf: {  	[sflag:s25] =	ssyncset.done $0x0  }
0x10: {  	[sflag:s25] =	ssyncadd.s32 $0xFFFFE700  }
0x11: {  	_ =	swait.ge [sflag:s26], $0x1900  }
0x12: {  	[sflag:s26] =	ssyncset.done $0x0  }
0x13: {  	s30 =	sadd.s32 $0x1, s30;
	[sflag:s26] =	ssyncadd.s32 $0xFFFFE700  }
0x14: {  	p0 =	sne.s32 s30, s7;
	_ =	swait.ge [sflag:s28], $0x1900  }
.Ltmp1:
0x15: {  	[sflag:s28] =	ssyncset.done $0x0;
	(pc) =	sbr.rel @!p0 .LBB2_13-.Ltmp1, $4  }
0x16: {  	[sflag:s28] =	ssyncadd.s32 $0xFFFFE700  }
0x17: {  	_ =	swait.ge [sflag:s29], $0x1900  }
0x18: {  	[sflag:s29] =	ssyncset.done $0x0  }
0x19: {  	[sflag:s29] =	ssyncadd.s32 $0xFFFFE700  }
.LBB2_1:
0x1a: {  	[tilespmem:s2], [sflag:$0x9] =	stream.linear.gather [hbm4b:s6+s2], $0x4000, $0x38;
	[tilespmem:$0x12000] =	vst v63  }
0x1b: {  	_ =	swait.ge [sflag:s8], $0x4000  }
0x1c: {  	[sflag:s8] =	ssyncset.done $0x0  }
0x1d: {  	s0 =	simm.s32 $0x4000;
	[sflag:s8] =	ssyncadd.s32 $0xFFFFC000  }
0x1e: {  	[tilespmem:s0], [sflag:$0x1] =	stream.indirect.gather [hbm4b:s4+s9], $0x80, s2, s9, $0xb8;
	[tilespmem:$0x12000] =	vst v63  }
0x1f: {  	s12 =	simm.s32 $0x80;
	s1 =	simm.s32 $0x5C00  }
0x20: {  	[tilespmem:s1], [sflag:$0x2] =	stream.indirect.gather [hbm4b:s4+s9], $0x80, s12, s9, $0xb8;
	[tilespmem:$0x12000] =	vst v63  }
0x21: {  	s13 =	simm.s32 $0x100  }
0x22: {  	[tilespmem:s14], [sflag:$0x3] =	stream.indirect.gather [hbm4b:s4+s9], $0x80, s13, s9, $0xb8;
	[tilespmem:$0x12000] =	vst v63  }
0x23: {  	s31 =	simm.s32 $0x0  }
0x24: {  	[tilespmem:s16], [sflag:$0x4] =	stream.indirect.gather [hbm4b:s4+s9], $0x80, s15, s9, $0xb8;
	[tilespmem:$0x12000] =	vst v63  }
.LBB2_2:
0x25: {  	_ =	swait.ge [sflag:s17], $0x1900  }
0x26: {  	p0 =	seq.s32 s31, $0x0;
	[sflag:s17] =	ssyncset.done $0x0  }
0x27: {  	s0 =	simm.s32 @!p0 $0x5;
	[sflag:s17] =	ssyncadd.s32 $0xFFFFE700  }
0x28: {  	_ =	swait.ge @!p0 [sflag:s0], $0x1900  }
0x29: {  	[sflag:s0] =	ssyncset.done @!p0 $0x0  }
0x2a: {  	s1 =	simm.s32 $0x0;
	[sflag:s0] =	ssyncadd.s32 @!p0 $0xFFFFE700  }
0x2b: {  	v2 =	vld [tilespmem:s1+$0x4030]  }
0x2c: {  	v1 =	vld [tilespmem:s1+$0x4000]  }
0x2d: {  	v0 =	vld [tilespmem:s1+$0x4010]  }
0x2e: {  	s10 =	simm.s32 $0x200;
	s0 =	sshll.u32 s31, $0x2;
	v3 =	vld [tilespmem:s1+$0x4020]  }
.LBB2_3:
0x2f: {  	p1 =	sne.s32 s10, $0x6200  }
.Ltmp2:
0x30: {  	s11 =	sshra.s32 s10, $0x2;
	s10 =	sadd.s32 $0x200, s10;
	[tilespmem:s1+$0xB030] =	vst v2;
	(pc) =	sbr.rel @p1 .LBB2_3-.Ltmp2, $4  }
0x31: {  	v2 =	vld [tilespmem:s11+$0x4030];
	[tilespmem:s1+$0xB000] =	vst v1  }
0x32: {  	v1 =	vld [tilespmem:s11+$0x4000];
	[tilespmem:s1+$0xB010] =	vst v0  }
0x33: {  	v0 =	vld [tilespmem:s11+$0x4010];
	[tilespmem:s1+$0xB020] =	vst v3;
	s1 =	smov.u32 s11  }
0x34: {  	v3 =	vld [tilespmem:s1+$0x4020]  }
0x35: {  	_ = 	snop  }
0x36: {  	s10 =	sadd.s32 s3, s0;
	[tilespmem:s1+$0xB030] =	vst v2  }
0x37: {  	s10 =	smul.u32 $0x380, s10;
	[tilespmem:s1+$0xB000] =	vst v1  }
0x38: {  	p1 =	seq.s32 s31, $0x1F;
	[tilespmem:s1+$0xB010] =	vst v0  }
0x39: {  	s13 =	sadd.s32 s5, s10;
	[tilespmem:s1+$0xB020] =	vst v3;
	s1 =	sshll.u32 @!p1 s31, $0x9  }
0x3a: {  	[hbm4b:s13+s2] =	stream.linear.scatter [tilespmem:s18], [sflag:$0x5], $0x1900, $0x38;
	[tilespmem:$0x12000] =	vst v63  }
0x3b: {  	s1 =	sand.u32 @!p1 $0x3FFFFE00, s1  }
0x3c: {  	s11 =	simm.s32 @!p1 $0x32;
	s12 =	simm.s32 @!p1 $0x4000;
	s10 =	sadd.s32 @!p1 $0x200, s1  }
0x3d: {  	[tilespmem:s12], [sflag:$0x1] =	stream.indirect.gather @!p1 [hbm4b:s4+s11], $0x80, s10, s11, $0xb8;
	[tilespmem:$0x12000] =	vst v63  }
0x3e: {  	_ =	swait.ge [sflag:s19], $0x1900  }
0x3f: {  	[sflag:s19] =	ssyncset.done $0x0  }
0x40: {  	s10 =	simm.s32 @!p0 $0x6;
	[sflag:s19] =	ssyncadd.s32 $0xFFFFE700  }
0x41: {  	_ =	swait.ge @!p0 [sflag:s10], $0x1900  }
0x42: {  	[sflag:s10] =	ssyncset.done @!p0 $0x0  }
0x43: {  	[sflag:s10] =	ssyncadd.s32 @!p0 $0xFFFFE700;
	s10 =	simm.s32 $0x0  }
0x44: {  	v2 =	vld [tilespmem:s10+$0x5C30]  }
0x45: {  	v1 =	vld [tilespmem:s10+$0x5C00]  }
0x46: {  	v0 =	vld [tilespmem:s10+$0x5C10]  }
0x47: {  	s11 =	sor.u32 $0x1, s0;
	s12 =	simm.s32 $0x200;
	v3 =	vld [tilespmem:s10+$0x5C20]  }
.LBB2_5:
0x48: {  	p2 =	sne.s32 s12, $0x6200  }
.Ltmp3:
0x49: {  	s13 =	sshra.s32 s12, $0x2;
	s12 =	sadd.s32 $0x200, s12;
	[tilespmem:s10+$0xCC30] =	vst v2;
	(pc) =	sbr.rel @p2 .LBB2_5-.Ltmp3, $4  }
0x4a: {  	v2 =	vld [tilespmem:s13+$0x5C30];
	[tilespmem:s10+$0xCC00] =	vst v1  }
0x4b: {  	v1 =	vld [tilespmem:s13+$0x5C00];
	[tilespmem:s10+$0xCC10] =	vst v0  }
0x4c: {  	v0 =	vld [tilespmem:s13+$0x5C10];
	[tilespmem:s10+$0xCC20] =	vst v3;
	s10 =	smov.u32 s13  }
0x4d: {  	v3 =	vld [tilespmem:s10+$0x5C20]  }
0x4e: {  	_ = 	snop  }
0x4f: {  	s11 =	sadd.s32 s3, s11;
	[tilespmem:s10+$0xCC30] =	vst v2  }
0x50: {  	s11 =	smul.u32 $0x380, s11;
	[tilespmem:s10+$0xCC00] =	vst v1  }
0x51: {  	[tilespmem:s10+$0xCC10] =	vst v0  }
0x52: {  	s13 =	sadd.s32 s5, s11;
	[tilespmem:s10+$0xCC20] =	vst v3  }
0x53: {  	[hbm4b:s13+s2] =	stream.linear.scatter [tilespmem:s20], [sflag:$0x6], $0x1900, $0x38;
	[tilespmem:$0x12000] =	vst v63  }
0x54: {  	s12 =	simm.s32 @!p1 $0x5C00;
	s11 =	simm.s32 @!p1 $0x32;
	s10 =	sadd.s32 @!p1 $0x280, s1  }
0x55: {  	[tilespmem:s12], [sflag:$0x2] =	stream.indirect.gather @!p1 [hbm4b:s4+s11], $0x80, s10, s11, $0xb8;
	[tilespmem:$0x12000] =	vst v63  }
0x56: {  	_ =	swait.ge [sflag:s21], $0x1900  }
0x57: {  	[sflag:s21] =	ssyncset.done $0x0  }
0x58: {  	s10 =	simm.s32 @!p0 $0x7;
	[sflag:s21] =	ssyncadd.s32 $0xFFFFE700  }
0x59: {  	_ =	swait.ge @!p0 [sflag:s10], $0x1900  }
0x5a: {  	[sflag:s10] =	ssyncset.done @!p0 $0x0  }
0x5b: {  	[sflag:s10] =	ssyncadd.s32 @!p0 $0xFFFFE700;
	s10 =	simm.s32 $0x0  }
0x5c: {  	v2 =	vld [tilespmem:s10+$0x7830]  }
0x5d: {  	v1 =	vld [tilespmem:s10+$0x7800]  }
0x5e: {  	v0 =	vld [tilespmem:s10+$0x7810]  }
0x5f: {  	s11 =	sor.u32 $0x2, s0;
	s12 =	simm.s32 $0x200;
	v3 =	vld [tilespmem:s10+$0x7820]  }
.LBB2_7:
0x60: {  	p2 =	sne.s32 s12, $0x6200  }
.Ltmp4:
0x61: {  	s13 =	sshra.s32 s12, $0x2;
	s12 =	sadd.s32 $0x200, s12;
	[tilespmem:s10+$0xE830] =	vst v2;
	(pc) =	sbr.rel @p2 .LBB2_7-.Ltmp4, $4  }
0x62: {  	v2 =	vld [tilespmem:s13+$0x7830];
	[tilespmem:s10+$0xE800] =	vst v1  }
0x63: {  	v1 =	vld [tilespmem:s13+$0x7800];
	[tilespmem:s10+$0xE810] =	vst v0  }
0x64: {  	v0 =	vld [tilespmem:s13+$0x7810];
	[tilespmem:s10+$0xE820] =	vst v3;
	s10 =	smov.u32 s13  }
0x65: {  	v3 =	vld [tilespmem:s10+$0x7820]  }
0x66: {  	_ = 	snop  }
0x67: {  	s11 =	sadd.s32 s3, s11;
	[tilespmem:s10+$0xE830] =	vst v2  }
0x68: {  	s11 =	smul.u32 $0x380, s11;
	[tilespmem:s10+$0xE800] =	vst v1  }
0x69: {  	[tilespmem:s10+$0xE810] =	vst v0  }
0x6a: {  	s13 =	sadd.s32 s5, s11;
	[tilespmem:s10+$0xE820] =	vst v3  }
0x6b: {  	[hbm4b:s13+s2] =	stream.linear.scatter [tilespmem:s22], [sflag:$0x7], $0x1900, $0x38;
	[tilespmem:$0x12000] =	vst v63  }
0x6c: {  	s1 =	sadd.s32 @!p1 $0x300, s1;
	s11 =	simm.s32 @!p1 $0x7800;
	s10 =	simm.s32 @!p1 $0x32  }
0x6d: {  	[tilespmem:s11], [sflag:$0x3] =	stream.indirect.gather @!p1 [hbm4b:s4+s10], $0x80, s1, s10, $0xb8;
	[tilespmem:$0x12000] =	vst v63  }
0x6e: {  	_ =	swait.ge [sflag:s23], $0x1900  }
0x6f: {  	[sflag:s23] =	ssyncset.done $0x0  }
0x70: {  	s1 =	simm.s32 @!p0 $0x8;
	[sflag:s23] =	ssyncadd.s32 $0xFFFFE700  }
0x71: {  	_ =	swait.ge @!p0 [sflag:s1], $0x1900  }
0x72: {  	[sflag:s1] =	ssyncset.done @!p0 $0x0  }
0x73: {  	[sflag:s1] =	ssyncadd.s32 @!p0 $0xFFFFE700;
	s1 =	simm.s32 $0x0  }
0x74: {  	v2 =	vld [tilespmem:s1+$0x9430]  }
0x75: {  	v1 =	vld [tilespmem:s1+$0x9400]  }
0x76: {  	v0 =	vld [tilespmem:s1+$0x9410]  }
0x77: {  	s0 =	sor.u32 $0x3, s0;
	s10 =	simm.s32 $0x200;
	v3 =	vld [tilespmem:s1+$0x9420]  }
.LBB2_9:
0x78: {  	p0 =	sne.s32 s10, $0x6200  }
.Ltmp5:
0x79: {  	s11 =	sshra.s32 s10, $0x2;
	s10 =	sadd.s32 $0x200, s10;
	[tilespmem:s1+$0x10430] =	vst v2;
	(pc) =	sbr.rel @p0 .LBB2_9-.Ltmp5, $4  }
0x7a: {  	v2 =	vld [tilespmem:s11+$0x9430];
	[tilespmem:s1+$0x10400] =	vst v1  }
0x7b: {  	v1 =	vld [tilespmem:s11+$0x9400];
	[tilespmem:s1+$0x10410] =	vst v0  }
0x7c: {  	v0 =	vld [tilespmem:s11+$0x9410];
	[tilespmem:s1+$0x10420] =	vst v3;
	s1 =	smov.u32 s11  }
0x7d: {  	v3 =	vld [tilespmem:s1+$0x9420]  }
0x7e: {  	_ = 	snop  }
.Ltmp6:
0x7f: {  	s0 =	sadd.s32 s3, s0;
	[tilespmem:s1+$0x10430] =	vst v2;
	(pc) =	sbr.rel @p1 .LBB2_12-.Ltmp6, $4  }
0x80: {  	s0 =	smul.u32 $0x380, s0;
	[tilespmem:s1+$0x10400] =	vst v1  }
0x81: {  	[tilespmem:s1+$0x10410] =	vst v0  }
0x82: {  	s0 =	sadd.s32 s5, s0;
	[tilespmem:s1+$0x10420] =	vst v3  }
0x83: {  	[hbm4b:s0+s2] =	stream.linear.scatter [tilespmem:s24], [sflag:$0x8], $0x1900, $0x38;
	[tilespmem:$0x12000] =	vst v63  }
.Ltmp7:
0x84: {  	(pc) =	sbr.rel .LBB2_2-.Ltmp7, $4  }
0x85: {  	s0 =	sshll.u32 s31, $0x9  }
0x86: {  	s0 =	sand.u32 $0x3FFFFE00, s0  }
0x87: {  	s31 =	sadd.s32 $0x1, s31;
	s0 =	sadd.s32 $0x380, s0  }
0x88: {  	[tilespmem:s16], [sflag:$0x4] =	stream.indirect.gather [hbm4b:s4+s9], $0x80, s0, s9, $0xb8;
	[tilespmem:$0x12000] =	vst v63  }
.LBB2_13:
0x89: {  	_ =	sfence.sel $0x180000  }
0x8a: {  	[bflag:$0x0] =	sbarrier.arrive $0xFFFF  }
0x8b: {  	_ =	strace $0x90000047  }
0x8c: {  	s0 =	stileid.u32;
	[bflag:$0x2] =	sbarrier.arrive $0xFFFF  }
0x8d: {  	p0 =	sne.s32 s0, $0x0;
	s0 =	rddreg [dreg:$0x1]  }
0x8e: {  	s0 =	sadd.s32 @!p0 $0x100000, s0  }
0x8f: {  	[sflag:s0] =	ssyncadd.tile.s32 @!p0 $0x1;
	_ =	shalt  }
.Lfunc_end2:
_tile_overlayer_lowered:
.L_overlay_start_2:
0x90: {  	(tag) =	ssettag $0x2  }
0x91: {  	s0 =	rddreg [dreg:$0x0];
	s2 =	stileid.u32  }
0x92: {  	s1 =	rddreg [dreg:$0x1];
	p0 =	sne.s32 s2, $0x0  }
0x93: {  	s3 =	rddreg [dreg:$0x2];
	[bflag:$0x3] =	sbarrier.arrive $0xFFFF;
	s2 =	simm.s32 @!p0 $0x1C09  }
0x94: {  	[timem:s3], [sflag:s2] =	dma.local @!p0 [hbm:s0], s1  }
0x95: {  	s0 =	simm.s32 @!p0 $0x9  }
0x96: {  	_ =	swait.ge @!p0 [sflag:s0], s1  }
0x97: {  	s1 =	ssub.s32 @!p0 $0x0, s1;
	[sflag:s0] =	ssyncset.done @!p0 $0x0  }
0x98: {  	[sflag:s0] =	ssyncadd.s32 @!p0 s1  }
0x99: {  	[bflag:$0x3] =	sbarrier.arrive $0xFFFF  }
0x9a: {  	_ =	shalt  }

</sc_bundles>
